<compile_context>
chip_gen: v7x
topology: tpu7x:2x2x1
jax: 0.10.2.dev20260603
libtpu: 0.0.44.dev20260713+nightly
codegen_flags: <defaults>
</compile_context>

<pallas_src>
import functools

import jax
import jax.numpy as jnp
from jax import lax
from jax.experimental import pallas as pl
from jax.experimental.pallas import tpu as pltpu
from jax.experimental.pallas import tpu_sc as plsc

N = 10000
F = 128
E = 320000
NCLS = 2

CH = 128
NWORK = 32
CHUNKS = 79
EPAD = CH * CHUNKS * NWORK
NPAD = 10112
RPT = NPAD // 16

_THETAS = ((3.0, -3.0, 0.75), (0.0, 3.0, -1.5), (0.0, 0.0, 0.75))


def _mlp_body(x_ref, w1_ref, b1_ref, w2_ref, b2_ref, wl1_ref, bl1_ref,
              h_ref, ix_ref):
    xb = x_ref[...]
    h = jnp.maximum(
        jnp.dot(xb, w1_ref[...], preferred_element_type=jnp.float32)
        + b1_ref[...], 0.0)
    h = jnp.maximum(
        jnp.dot(h, w2_ref[...], preferred_element_type=jnp.float32)
        + b2_ref[...], 0.0)
    h_ref[...] = h
    ix_ref[...] = (jnp.dot(xb, wl1_ref[...], preferred_element_type=jnp.float32)
                   + bl1_ref[...])


_ROWS_B = 1000


def _mlp(x, w1t, b1, w2t, b2, wl1t, bl1):
    grid = (N // _ROWS_B,)
    full = lambda shape: pl.BlockSpec(shape, lambda i: (0, 0))
    return pl.pallas_call(
        _mlp_body,
        grid=grid,
        in_specs=[
            pl.BlockSpec((_ROWS_B, F), lambda i: (i, 0)),
            full((F, F)), full((1, F)),
            full((F, F)), full((1, F)),
            full((F, NCLS)), full((1, NCLS)),
        ],
        out_specs=[
            pl.BlockSpec((_ROWS_B, F), lambda i: (i, 0)),
            pl.BlockSpec((_ROWS_B, NCLS), lambda i: (i, 0)),
        ],
        out_shape=[
            jax.ShapeDtypeStruct((N, F), jnp.float32),
            jax.ShapeDtypeStruct((N, NCLS), jnp.float32),
        ],
    )(x, w1t, b1, w2t, b2, wl1t, bl1)


_SC_MESH = plsc.VectorSubcoreMesh(core_axis_name="c", subcore_axis_name="s")


def _prop_body(h_hbm, src_hbm, dst_hbm, z_hbm, out0, out1,
               sidx, didx, rows, acc, gsem0):
    c = lax.axis_index("c")
    s = lax.axis_index("s")
    pltpu.sync_copy(z_hbm.at[pl.ds(s * RPT, RPT)], acc.at[pl.ds(s * RPT, RPT)])
    plsc.subcore_barrier()

    w = s * 2 + c
    pltpu.sync_copy(src_hbm.at[w], sidx)
    pltpu.sync_copy(dst_hbm.at[w], didx)

    def chunk(l, carry):
        pltpu.async_copy(h_hbm.at[sidx.at[l]], rows, gsem0).wait()
        pltpu.sync_copy(rows, acc.at[didx.at[l]], add=True)
        return carry

    lax.fori_loop(0, CHUNKS, chunk, 0)
    plsc.subcore_barrier()

    @pl.when(c == 0)
    def _():
        pltpu.sync_copy(acc.at[pl.ds(s * RPT, RPT)], out0.at[pl.ds(s * RPT, RPT)])

    @pl.when(c == 1)
    def _():
        pltpu.sync_copy(acc.at[pl.ds(s * RPT, RPT)], out1.at[pl.ds(s * RPT, RPT)])


_prop = pl.kernel(
    _prop_body,
    out_type=[
        jax.ShapeDtypeStruct((NPAD, F), jnp.float32),
        jax.ShapeDtypeStruct((NPAD, F), jnp.float32),
    ],
    mesh=_SC_MESH,
    scratch_types=[
        pltpu.VMEM((CHUNKS, CH), jnp.int32),
        pltpu.VMEM((CHUNKS, CH), jnp.int32),
        pltpu.VMEM((CH, F), jnp.float32),
        pltpu.VMEM_SHARED((NPAD, F), jnp.float32),
        pltpu.SemaphoreType.DMA,
    ],
)


def _merge_body(p0_ref, p1_ref, o_ref):
    o_ref[...] = p0_ref[...] + p1_ref[...]


def _merge(p0, p1):
    return pl.pallas_call(
        _merge_body,
        grid=(N // _ROWS_B,),
        in_specs=[
            pl.BlockSpec((_ROWS_B, F), lambda i: (i, 0)),
            pl.BlockSpec((_ROWS_B, F), lambda i: (i, 0)),
        ],
        out_specs=pl.BlockSpec((_ROWS_B, F), lambda i: (i, 0)),
        out_shape=jax.ShapeDtypeStruct((N, F), jnp.float32),
    )(p0, p1)


def _post_body(h_ref, h1_ref, p0_ref, p1_ref, w3t_ref, b3_ref, w4t_ref,
               b4_ref, ix_ref, h3_ref, o_ref):
    h = h_ref[...]
    h1 = h1_ref[...]
    h2 = p0_ref[...] + p1_ref[...]
    t0, t1, t2 = _THETAS
    hf = jnp.concatenate(
        [t0[0] * h + t0[1] * h1 + t0[2] * h2,
         t1[1] * h1 + t1[2] * h2,
         t2[2] * h2], axis=1)
    h3 = jnp.maximum(
        jnp.dot(hf, w3t_ref[...], preferred_element_type=jnp.float32)
        + b3_ref[...], 0.0)
    h3_ref[...] = h3
    o_ref[...] = (jnp.dot(h3, w4t_ref[...], preferred_element_type=jnp.float32)
                  + b4_ref[...] + ix_ref[...])


def _post(h, h1, p0, p1, w3t, b3, w4t, b4, ix):
    full = lambda shape: pl.BlockSpec(shape, lambda i: (0, 0))
    row = lambda cols: pl.BlockSpec((_ROWS_B, cols), lambda i: (i, 0))
    return pl.pallas_call(
        _post_body,
        grid=(N // _ROWS_B,),
        in_specs=[
            row(F), row(F), row(F), row(F),
            full((3 * F, F)), full((1, F)),
            full((F, NCLS)), full((1, NCLS)),
            row(NCLS),
        ],
        out_specs=[row(F), row(NCLS)],
        out_shape=[
            jax.ShapeDtypeStruct((N, F), jnp.float32),
            jax.ShapeDtypeStruct((N, NCLS), jnp.float32),
        ],
    )(h, h1, p0, p1, w3t, b3, w4t, b4, ix)


def kernel(x, edge_index, W1, b1, W2, b2, W3, b3, W4, b4, Wl1, bl1):
    src = edge_index[0].astype(jnp.int32)
    dst = edge_index[1].astype(jnp.int32)
    pad = EPAD - E
    pad_dst = N + jnp.arange(pad, dtype=jnp.int32) % (NPAD - N)
    src3 = jnp.concatenate([src, jnp.zeros((pad,), jnp.int32)]).reshape(
        NWORK, CHUNKS, CH)
    dst3 = jnp.concatenate([dst, pad_dst]).reshape(NWORK, CHUNKS, CH)
    zeros = jnp.zeros((NPAD, F), jnp.float32)

    h, ix = _mlp(x, W1.T, b1.reshape(1, F), W2.T, b2.reshape(1, F),
                 Wl1.T, bl1.reshape(1, NCLS))
    p0, p1 = _prop(h, src3, dst3, zeros)
    h1 = _merge(p0, p1)
    q0, q1 = _prop(h1, src3, dst3, zeros)
    h3, out2 = _post(h, h1, q0, q1, W3.T, b3.reshape(1, F), W4.T,
                     b4.reshape(1, NCLS), ix)
    return (h3, out2)

# --- scband reference (transcript-rebuilt; emitter-appended) ---
"""Pipeline reference for scband-bwgnn-89601607729384 (READ-ONLY COPY).

The authoritative reference and input builder live on the scoring server;
editing this copy changes nothing except your own understanding.
"""

import jax, jax.numpy as jnp
import numpy as np

N_NODES = 10000
N_EDGES = 320000
IN_FEATS = 128
H_FEATS = 128
NUM_CLASSES = 2

# Beta-wavelet polynomial coefficients for d=2 (precomputed from sympy/scipy):
# theta_i = inverted coeffs of (x/2)^i (1-x/2)^(d-i) / B(i+1, d+1-i)
THETAS = [[3.0, -3.0, 0.75], [0.0, 3.0, -1.5], [0.0, 0.0, 0.75]]


def setup_inputs(seed: int = 0) -> dict:
    key = jax.random.key(seed)
    ks = [jax.random.fold_in(key, i) for i in range(16)]
    x = jax.random.normal(ks[0], (N_NODES, IN_FEATS), dtype=jnp.float32)
    edge_index = jax.random.randint(ks[1], (2, N_EDGES), 0, N_NODES, dtype=jnp.int64)
    W1 = jax.random.normal(ks[2], (H_FEATS, IN_FEATS), dtype=jnp.float32) * 0.05
    b1 = jnp.zeros((H_FEATS,), dtype=jnp.float32)
    W2 = jax.random.normal(ks[3], (H_FEATS, H_FEATS), dtype=jnp.float32) * 0.05
    b2 = jnp.zeros((H_FEATS,), dtype=jnp.float32)
    W3 = jax.random.normal(ks[4], (H_FEATS, H_FEATS * 3), dtype=jnp.float32) * 0.05
    b3 = jnp.zeros((H_FEATS,), dtype=jnp.float32)
    W4 = jax.random.normal(ks[5], (NUM_CLASSES, H_FEATS), dtype=jnp.float32) * 0.05
    b4 = jnp.zeros((NUM_CLASSES,), dtype=jnp.float32)
    Wl1 = jax.random.normal(ks[6], (NUM_CLASSES, IN_FEATS), dtype=jnp.float32) * 0.05
    bl1 = jnp.zeros((NUM_CLASSES,), dtype=jnp.float32)
    return {"x": x, "edge_index": edge_index, "W1": W1, "b1": b1, "W2": W2, "b2": b2,
            "W3": W3, "b3": b3, "W4": W4, "b4": b4, "Wl1": Wl1, "bl1": bl1}


def _poly_conv(h, src, dst, theta, num_nodes):
    # PolyConv with aggr='add', lin=False: h_out = sum_k theta[k] * A^k h
    out = theta[0] * h
    xc = h
    for k in range(1, len(theta)):
        # propagate: scatter-add x_j = xc[src] into dst nodes
        xc = jax.ops.segment_sum(xc[src], dst, num_segments=num_nodes)
        out = out + theta[k] * xc
    return out


def reference(x, edge_index, W1, b1, W2, b2, W3, b3, W4, b4, Wl1, bl1):
    src = edge_index[0]
    dst = edge_index[1]
    n = x.shape[0]
    initial_x = x @ Wl1.T + bl1
    h = jax.nn.relu(x @ W1.T + b1)
    h = jax.nn.relu(h @ W2.T + b2)
    h_final = []
    for theta in THETAS:
        h_final.append(_poly_conv(h, src, dst, theta, n))
    h_final = jnp.concatenate(h_final, axis=-1)
    h = jax.nn.relu(h_final @ W3.T + b3)
    x32 = h
    h = h @ W4.T + b4
    return (x32, h + initial_x)

if __name__ == "__main__":
    import jax
    _d = setup_inputs()
    print(jax.jit(kernel)(*tuple(_d.values())))

</pallas_src>

<mosaic_0001>
#map = affine_map<(d0, d1) -> (0, 0)>
#map1 = affine_map<(d0, d1) -> (0, 0, 0)>
module attributes {stable_mosaic.version = 14 : i64} {
  func.func @_prop_body(%arg0: i32, %arg1: i32, %arg2: memref<10000x128xf32, #tpu.memory_space<hbm>>, %arg3: memref<32x79x128xi32, #tpu.memory_space<hbm>>, %arg4: memref<32x79x128xi32, #tpu.memory_space<hbm>>, %arg5: memref<10112x128xf32, #tpu.memory_space<hbm>>, %arg6: memref<10112x128xf32, #tpu.memory_space<hbm>>, %arg7: memref<10112x128xf32, #tpu.memory_space<hbm>>, %arg8: memref<79x128xi32, #tpu.memory_space<vmem>>, %arg9: memref<79x128xi32, #tpu.memory_space<vmem>>, %arg10: memref<128x128xf32, #tpu.memory_space<vmem>>, %arg11: memref<10112x128xf32, #tpu.memory_space<vmem_shared>>, %arg12: memref<!tpu.dma_semaphore, #tpu.memory_space<semaphore_mem>>) attributes {dimension_semantics = [#tpu.dimension_semantics<core_parallel>, #tpu.dimension_semantics<subcore_parallel>], iteration_bounds = array<i64: 2, 16>, scalar_prefetch = 0 : i64, scratch_operands = 5 : i64, tpu.core_type = #tpu.core_type<sc_vector_subcore>, window_params = [{transform_indices = #map}, {transform_indices = #map1}, {transform_indices = #map1}, {transform_indices = #map}, {transform_indices = #map}, {transform_indices = #map}]} {
    %mul3A = arith.constant 632 : i32
    %mul3A_0 = arith.muli %arg1, %mul3A : i32
    %mul3A_1 = arith.constant 632 : i32
    %mul3A_2 = arith.muli %arg1, %mul3A_1 : i32
    "tpu.region"() ({
      %run_scoped3A = tpu.sem_alloc : memref<!tpu.dma_semaphore, #tpu.memory_space<semaphore_mem>>
      %dma_start3A = arith.constant 0 : i32
      %dma_start3A_18 = tpu.memref_slice %arg11[%mul3A_2, %dma_start3A] : memref<10112x128xf32, #tpu.memory_space<vmem_shared>> -> memref<632x128xf32, #tpu.memory_space<vmem_shared>>
      %dma_start3A_19 = arith.constant 0 : i32
      %dma_start3A_20 = tpu.memref_slice %arg5[%mul3A_0, %dma_start3A_19] : memref<10112x128xf32, #tpu.memory_space<hbm>> -> memref<632x128xf32, #tpu.memory_space<hbm>>
      tpu.enqueue_dma source(%dma_start3A_20 : memref<632x128xf32, #tpu.memory_space<hbm>>) target(%dma_start3A_18 : memref<632x128xf32, #tpu.memory_space<vmem_shared>>) target_semaphore(%run_scoped3A : memref<!tpu.dma_semaphore, #tpu.memory_space<semaphore_mem>>)
      %dma_wait3A = arith.constant 0 : i32
      %dma_wait3A_21 = tpu.memref_slice %arg11[%mul3A_2, %dma_wait3A] : memref<10112x128xf32, #tpu.memory_space<vmem_shared>> -> memref<632x128xf32, #tpu.memory_space<vmem_shared>>
      %dma_wait3A_22 = arith.constant 0 : i32
      %dma_wait3A_23 = tpu.memref_slice %arg5[%mul3A_0, %dma_wait3A_22] : memref<10112x128xf32, #tpu.memory_space<hbm>> -> memref<632x128xf32, #tpu.memory_space<hbm>>
      tpu.wait_dma2 semaphore(%run_scoped3A : memref<!tpu.dma_semaphore, #tpu.memory_space<semaphore_mem>>) src(%dma_wait3A_23 : memref<632x128xf32, #tpu.memory_space<hbm>>) dst(%dma_wait3A_21 : memref<632x128xf32, #tpu.memory_space<vmem_shared>>)
      tpu.yield
    }) : () -> ()
    %barrier3A = arith.constant 0 : index
    tpu.barrier barrier_id(%barrier3A)
    %mul3A_3 = arith.constant 2 : i32
    %mul3A_4 = arith.muli %arg1, %mul3A_3 : i32
    %add3A = arith.addi %mul3A_4, %arg0 : i32
    "tpu.region"() ({
      %run_scoped3A = tpu.sem_alloc : memref<!tpu.dma_semaphore, #tpu.memory_space<semaphore_mem>>
      %dma_start3A = arith.constant 0 : i32
      %dma_start3A_18 = arith.constant 0 : i32
      %dma_start3A_19 = tpu.memref_slice %arg3[%add3A, %dma_start3A, %dma_start3A_18] : memref<32x79x128xi32, #tpu.memory_space<hbm>> -> memref<1x79x128xi32, #tpu.memory_space<hbm>>
      %dma_start3A_20 = tpu.memref_squeeze %dma_start3A_19 : memref<1x79x128xi32, #tpu.memory_space<hbm>> -> memref<79x128xi32, #tpu.memory_space<hbm>>
      %dma_start3A_21 = arith.constant 0 : i32
      %dma_start3A_22 = arith.constant 0 : i32
      %dma_start3A_23 = tpu.memref_slice %arg3[%add3A, %dma_start3A_21, %dma_start3A_22] : memref<32x79x128xi32, #tpu.memory_space<hbm>> -> memref<1x79x128xi32, #tpu.memory_space<hbm>>
      %dma_start3A_24 = tpu.memref_squeeze %dma_start3A_23 : memref<1x79x128xi32, #tpu.memory_space<hbm>> -> memref<79x128xi32, #tpu.memory_space<hbm>>
      tpu.enqueue_dma source(%dma_start3A_24 : memref<79x128xi32, #tpu.memory_space<hbm>>) target(%arg8 : memref<79x128xi32, #tpu.memory_space<vmem>>) target_semaphore(%run_scoped3A : memref<!tpu.dma_semaphore, #tpu.memory_space<semaphore_mem>>)
      %dma_wait3A = arith.constant 0 : i32
      %dma_wait3A_25 = arith.constant 0 : i32
      %dma_wait3A_26 = tpu.memref_slice %arg3[%add3A, %dma_wait3A, %dma_wait3A_25] : memref<32x79x128xi32, #tpu.memory_space<hbm>> -> memref<1x79x128xi32, #tpu.memory_space<hbm>>
      %dma_wait3A_27 = tpu.memref_squeeze %dma_wait3A_26 : memref<1x79x128xi32, #tpu.memory_space<hbm>> -> memref<79x128xi32, #tpu.memory_space<hbm>>
      %dma_wait3A_28 = arith.constant 0 : i32
      %dma_wait3A_29 = arith.constant 0 : i32
      %dma_wait3A_30 = tpu.memref_slice %arg3[%add3A, %dma_wait3A_28, %dma_wait3A_29] : memref<32x79x128xi32, #tpu.memory_space<hbm>> -> memref<1x79x128xi32, #tpu.memory_space<hbm>>
      %dma_wait3A_31 = tpu.memref_squeeze %dma_wait3A_30 : memref<1x79x128xi32, #tpu.memory_space<hbm>> -> memref<79x128xi32, #tpu.memory_space<hbm>>
      tpu.wait_dma2 semaphore(%run_scoped3A : memref<!tpu.dma_semaphore, #tpu.memory_space<semaphore_mem>>) src(%dma_wait3A_31 : memref<79x128xi32, #tpu.memory_space<hbm>>) dst(%arg8 : memref<79x128xi32, #tpu.memory_space<vmem>>)
      tpu.yield
    }) : () -> ()
    "tpu.region"() ({
      %run_scoped3A = tpu.sem_alloc : memref<!tpu.dma_semaphore, #tpu.memory_space<semaphore_mem>>
      %dma_start3A = arith.constant 0 : i32
      %dma_start3A_18 = arith.constant 0 : i32
      %dma_start3A_19 = tpu.memref_slice %arg4[%add3A, %dma_start3A, %dma_start3A_18] : memref<32x79x128xi32, #tpu.memory_space<hbm>> -> memref<1x79x128xi32, #tpu.memory_space<hbm>>
      %dma_start3A_20 = tpu.memref_squeeze %dma_start3A_19 : memref<1x79x128xi32, #tpu.memory_space<hbm>> -> memref<79x128xi32, #tpu.memory_space<hbm>>
      %dma_start3A_21 = arith.constant 0 : i32
      %dma_start3A_22 = arith.constant 0 : i32
      %dma_start3A_23 = tpu.memref_slice %arg4[%add3A, %dma_start3A_21, %dma_start3A_22] : memref<32x79x128xi32, #tpu.memory_space<hbm>> -> memref<1x79x128xi32, #tpu.memory_space<hbm>>
      %dma_start3A_24 = tpu.memref_squeeze %dma_start3A_23 : memref<1x79x128xi32, #tpu.memory_space<hbm>> -> memref<79x128xi32, #tpu.memory_space<hbm>>
      tpu.enqueue_dma source(%dma_start3A_24 : memref<79x128xi32, #tpu.memory_space<hbm>>) target(%arg9 : memref<79x128xi32, #tpu.memory_space<vmem>>) target_semaphore(%run_scoped3A : memref<!tpu.dma_semaphore, #tpu.memory_space<semaphore_mem>>)
      %dma_wait3A = arith.constant 0 : i32
      %dma_wait3A_25 = arith.constant 0 : i32
      %dma_wait3A_26 = tpu.memref_slice %arg4[%add3A, %dma_wait3A, %dma_wait3A_25] : memref<32x79x128xi32, #tpu.memory_space<hbm>> -> memref<1x79x128xi32, #tpu.memory_space<hbm>>
      %dma_wait3A_27 = tpu.memref_squeeze %dma_wait3A_26 : memref<1x79x128xi32, #tpu.memory_space<hbm>> -> memref<79x128xi32, #tpu.memory_space<hbm>>
      %dma_wait3A_28 = arith.constant 0 : i32
      %dma_wait3A_29 = arith.constant 0 : i32
      %dma_wait3A_30 = tpu.memref_slice %arg4[%add3A, %dma_wait3A_28, %dma_wait3A_29] : memref<32x79x128xi32, #tpu.memory_space<hbm>> -> memref<1x79x128xi32, #tpu.memory_space<hbm>>
      %dma_wait3A_31 = tpu.memref_squeeze %dma_wait3A_30 : memref<1x79x128xi32, #tpu.memory_space<hbm>> -> memref<79x128xi32, #tpu.memory_space<hbm>>
      tpu.wait_dma2 semaphore(%run_scoped3A : memref<!tpu.dma_semaphore, #tpu.memory_space<semaphore_mem>>) src(%dma_wait3A_31 : memref<79x128xi32, #tpu.memory_space<hbm>>) dst(%arg9 : memref<79x128xi32, #tpu.memory_space<vmem>>)
      tpu.yield
    }) : () -> ()
    %scan3A = arith.constant 0 : i32
    %scan3A_5 = arith.constant 0 : i32
    %scan3A_6 = arith.constant 79 : i32
    %scan3A_7 = arith.addi %scan3A_5, %scan3A_6 : i32
    %scan3A_8 = arith.constant 1 : i32
    scf.for %scan3A_18 = %scan3A_5 to %scan3A_7 step %scan3A_8  : i32 {
      %dma_start3A = arith.constant 0 : i32
      %dma_start3A_19 = tpu.memref_slice %arg8[%scan3A_18, %dma_start3A] : memref<79x128xi32, #tpu.memory_space<vmem>> -> memref<1x128xi32, #tpu.memory_space<vmem>>
      %dma_start3A_20 = tpu.memref_squeeze %dma_start3A_19 : memref<1x128xi32, #tpu.memory_space<vmem>> -> memref<128xi32, #tpu.memory_space<vmem>>
      %dma_start3A_21 = arith.constant 0 : i32
      %dma_start3A_22 = arith.constant 0 : i32
      %dma_start3A_23 = tpu.memref_slice %arg2[%dma_start3A_21, %dma_start3A_22] : memref<10000x128xf32, #tpu.memory_space<hbm>> -> memref<10000x128xf32, #tpu.memory_space<hbm>>
      tpu.enqueue_indirect_dma source(%dma_start3A_23 : memref<10000x128xf32, #tpu.memory_space<hbm>>) target(%arg10 : memref<128x128xf32, #tpu.memory_space<vmem>>) offsets(%dma_start3A_20 : memref<128xi32, #tpu.memory_space<vmem>>) semaphore(%arg12 : memref<!tpu.dma_semaphore, #tpu.memory_space<semaphore_mem>>)
      %dma_wait3A = arith.constant 0 : i32
      %dma_wait3A_24 = tpu.memref_slice %arg8[%scan3A_18, %dma_wait3A] : memref<79x128xi32, #tpu.memory_space<vmem>> -> memref<1x128xi32, #tpu.memory_space<vmem>>
      %dma_wait3A_25 = tpu.memref_squeeze %dma_wait3A_24 : memref<1x128xi32, #tpu.memory_space<vmem>> -> memref<128xi32, #tpu.memory_space<vmem>>
      %dma_wait3A_26 = arith.constant 0 : i32
      %dma_wait3A_27 = arith.constant 0 : i32
      %dma_wait3A_28 = tpu.memref_slice %arg2[%dma_wait3A_26, %dma_wait3A_27] : memref<10000x128xf32, #tpu.memory_space<hbm>> -> memref<10000x128xf32, #tpu.memory_space<hbm>>
      tpu.wait_indirect_dma semaphore(%arg12 : memref<!tpu.dma_semaphore, #tpu.memory_space<semaphore_mem>>) src(%dma_wait3A_28 : memref<10000x128xf32, #tpu.memory_space<hbm>>) dst(%arg10 : memref<128x128xf32, #tpu.memory_space<vmem>>)
      "tpu.region"() ({
        %run_scoped3A = tpu.sem_alloc : memref<!tpu.dma_semaphore, #tpu.memory_space<semaphore_mem>>
        %dma_start3A_29 = arith.constant 0 : i32
        %dma_start3A_30 = tpu.memref_slice %arg9[%scan3A_18, %dma_start3A_29] : memref<79x128xi32, #tpu.memory_space<vmem>> -> memref<1x128xi32, #tpu.memory_space<vmem>>
        %dma_start3A_31 = tpu.memref_squeeze %dma_start3A_30 : memref<1x128xi32, #tpu.memory_space<vmem>> -> memref<128xi32, #tpu.memory_space<vmem>>
        %dma_start3A_32 = arith.constant 0 : i32
        %dma_start3A_33 = arith.constant 0 : i32
        %dma_start3A_34 = tpu.memref_slice %arg11[%dma_start3A_32, %dma_start3A_33] : memref<10112x128xf32, #tpu.memory_space<vmem_shared>> -> memref<10112x128xf32, #tpu.memory_space<vmem_shared>>
        tpu.enqueue_indirect_dma source(%arg10 : memref<128x128xf32, #tpu.memory_space<vmem>>) target(%dma_start3A_34 : memref<10112x128xf32, #tpu.memory_space<vmem_shared>>) offsets(%dma_start3A_31 : memref<128xi32, #tpu.memory_space<vmem>>) semaphore(%run_scoped3A : memref<!tpu.dma_semaphore, #tpu.memory_space<semaphore_mem>>) {add = true}
        %dma_wait3A_35 = arith.constant 0 : i32
        %dma_wait3A_36 = tpu.memref_slice %arg9[%scan3A_18, %dma_wait3A_35] : memref<79x128xi32, #tpu.memory_space<vmem>> -> memref<1x128xi32, #tpu.memory_space<vmem>>
        %dma_wait3A_37 = tpu.memref_squeeze %dma_wait3A_36 : memref<1x128xi32, #tpu.memory_space<vmem>> -> memref<128xi32, #tpu.memory_space<vmem>>
        %dma_wait3A_38 = arith.constant 0 : i32
        %dma_wait3A_39 = arith.constant 0 : i32
        %dma_wait3A_40 = tpu.memref_slice %arg11[%dma_wait3A_38, %dma_wait3A_39] : memref<10112x128xf32, #tpu.memory_space<vmem_shared>> -> memref<10112x128xf32, #tpu.memory_space<vmem_shared>>
        tpu.wait_indirect_dma semaphore(%run_scoped3A : memref<!tpu.dma_semaphore, #tpu.memory_space<semaphore_mem>>) src(%arg10 : memref<128x128xf32, #tpu.memory_space<vmem>>) dst(%dma_wait3A_40 : memref<10112x128xf32, #tpu.memory_space<vmem_shared>>)
        tpu.yield
      }) : () -> ()
    }
    %scan3A_9 = arith.constant 79 : i32
    %barrier3A_10 = arith.constant 0 : index
    tpu.barrier barrier_id(%barrier3A_10)
    %eq3A = arith.constant 0 : i32
    %eq3A_11 = arith.cmpi eq, %arg0, %eq3A : i32
    %convert_element_type3A = arith.extui %eq3A_11 : i1 to i32
    %cond3A = arith.constant 0 : i32
    %cond3A_12 = arith.cmpi ne, %convert_element_type3A, %cond3A : i32
    scf.if %cond3A_12 {
      %mul3A_18 = arith.constant 632 : i32
      %mul3A_19 = arith.muli %arg1, %mul3A_18 : i32
      %mul3A_20 = arith.constant 632 : i32
      %mul3A_21 = arith.muli %arg1, %mul3A_20 : i32
      "tpu.region"() ({
        %run_scoped3A = tpu.sem_alloc : memref<!tpu.dma_semaphore, #tpu.memory_space<semaphore_mem>>
        %dma_start3A = arith.constant 0 : i32
        %dma_start3A_22 = tpu.memref_slice %arg6[%mul3A_21, %dma_start3A] : memref<10112x128xf32, #tpu.memory_space<hbm>> -> memref<632x128xf32, #tpu.memory_space<hbm>>
        %dma_start3A_23 = arith.constant 0 : i32
        %dma_start3A_24 = tpu.memref_slice %arg11[%mul3A_19, %dma_start3A_23] : memref<10112x128xf32, #tpu.memory_space<vmem_shared>> -> memref<632x128xf32, #tpu.memory_space<vmem_shared>>
        tpu.enqueue_dma source(%dma_start3A_24 : memref<632x128xf32, #tpu.memory_space<vmem_shared>>) target(%dma_start3A_22 : memref<632x128xf32, #tpu.memory_space<hbm>>) target_semaphore(%run_scoped3A : memref<!tpu.dma_semaphore, #tpu.memory_space<semaphore_mem>>)
        %dma_wait3A = arith.constant 0 : i32
        %dma_wait3A_25 = tpu.memref_slice %arg6[%mul3A_21, %dma_wait3A] : memref<10112x128xf32, #tpu.memory_space<hbm>> -> memref<632x128xf32, #tpu.memory_space<hbm>>
        %dma_wait3A_26 = arith.constant 0 : i32
        %dma_wait3A_27 = tpu.memref_slice %arg11[%mul3A_19, %dma_wait3A_26] : memref<10112x128xf32, #tpu.memory_space<vmem_shared>> -> memref<632x128xf32, #tpu.memory_space<vmem_shared>>
        tpu.wait_dma2 semaphore(%run_scoped3A : memref<!tpu.dma_semaphore, #tpu.memory_space<semaphore_mem>>) src(%dma_wait3A_27 : memref<632x128xf32, #tpu.memory_space<vmem_shared>>) dst(%dma_wait3A_25 : memref<632x128xf32, #tpu.memory_space<hbm>>)
        tpu.yield
      }) : () -> ()
    } else {
    }
    %eq3A_13 = arith.constant 1 : i32
    %eq3A_14 = arith.cmpi eq, %arg0, %eq3A_13 : i32
    %convert_element_type3A_15 = arith.extui %eq3A_14 : i1 to i32
    %cond3A_16 = arith.constant 0 : i32
    %cond3A_17 = arith.cmpi ne, %convert_element_type3A_15, %cond3A_16 : i32
    scf.if %cond3A_17 {
      %mul3A_18 = arith.constant 632 : i32
      %mul3A_19 = arith.muli %arg1, %mul3A_18 : i32
      %mul3A_20 = arith.constant 632 : i32
      %mul3A_21 = arith.muli %arg1, %mul3A_20 : i32
      "tpu.region"() ({
        %run_scoped3A = tpu.sem_alloc : memref<!tpu.dma_semaphore, #tpu.memory_space<semaphore_mem>>
        %dma_start3A = arith.constant 0 : i32
        %dma_start3A_22 = tpu.memref_slice %arg7[%mul3A_21, %dma_start3A] : memref<10112x128xf32, #tpu.memory_space<hbm>> -> memref<632x128xf32, #tpu.memory_space<hbm>>
        %dma_start3A_23 = arith.constant 0 : i32
        %dma_start3A_24 = tpu.memref_slice %arg11[%mul3A_19, %dma_start3A_23] : memref<10112x128xf32, #tpu.memory_space<vmem_shared>> -> memref<632x128xf32, #tpu.memory_space<vmem_shared>>
        tpu.enqueue_dma source(%dma_start3A_24 : memref<632x128xf32, #tpu.memory_space<vmem_shared>>) target(%dma_start3A_22 : memref<632x128xf32, #tpu.memory_space<hbm>>) target_semaphore(%run_scoped3A : memref<!tpu.dma_semaphore, #tpu.memory_space<semaphore_mem>>)
        %dma_wait3A = arith.constant 0 : i32
        %dma_wait3A_25 = tpu.memref_slice %arg7[%mul3A_21, %dma_wait3A] : memref<10112x128xf32, #tpu.memory_space<hbm>> -> memref<632x128xf32, #tpu.memory_space<hbm>>
        %dma_wait3A_26 = arith.constant 0 : i32
        %dma_wait3A_27 = tpu.memref_slice %arg11[%mul3A_19, %dma_wait3A_26] : memref<10112x128xf32, #tpu.memory_space<vmem_shared>> -> memref<632x128xf32, #tpu.memory_space<vmem_shared>>
        tpu.wait_dma2 semaphore(%run_scoped3A : memref<!tpu.dma_semaphore, #tpu.memory_space<semaphore_mem>>) src(%dma_wait3A_27 : memref<632x128xf32, #tpu.memory_space<vmem_shared>>) dst(%dma_wait3A_25 : memref<632x128xf32, #tpu.memory_space<hbm>>)
        tpu.yield
      }) : () -> ()
    } else {
    }
    return
  }
}

#map = affine_map<(d0, d1) -> (0, 0)>
#map1 = affine_map<(d0, d1) -> (0, 0, 0)>
module attributes {stable_mosaic.version = 14 : i64} {
  func.func @_prop_body(%arg0: i32, %arg1: i32, %arg2: memref<10000x128xf32, #tpu.memory_space<hbm>>, %arg3: memref<32x79x128xi32, #tpu.memory_space<hbm>>, %arg4: memref<32x79x128xi32, #tpu.memory_space<hbm>>, %arg5: memref<10112x128xf32, #tpu.memory_space<hbm>>, %arg6: memref<10112x128xf32, #tpu.memory_space<hbm>>, %arg7: memref<10112x128xf32, #tpu.memory_space<hbm>>, %arg8: memref<79x128xi32, #tpu.memory_space<vmem>>, %arg9: memref<79x128xi32, #tpu.memory_space<vmem>>, %arg10: memref<128x128xf32, #tpu.memory_space<vmem>>, %arg11: memref<10112x128xf32, #tpu.memory_space<vmem_shared>>, %arg12: memref<!tpu.dma_semaphore, #tpu.memory_space<semaphore_mem>>) attributes {dimension_semantics = [#tpu.dimension_semantics<core_parallel>, #tpu.dimension_semantics<subcore_parallel>], iteration_bounds = array<i64: 2, 16>, scalar_prefetch = 0 : i64, scratch_operands = 5 : i64, tpu.core_type = #tpu.core_type<sc_vector_subcore>, window_params = [{transform_indices = #map}, {transform_indices = #map1}, {transform_indices = #map1}, {transform_indices = #map}, {transform_indices = #map}, {transform_indices = #map}]} {
    %mul3A = arith.constant 632 : i32
    %mul3A_0 = arith.muli %arg1, %mul3A : i32
    %mul3A_1 = arith.constant 632 : i32
    %mul3A_2 = arith.muli %arg1, %mul3A_1 : i32
    "tpu.region"() ({
      %run_scoped3A = tpu.sem_alloc : memref<!tpu.dma_semaphore, #tpu.memory_space<semaphore_mem>>
      %dma_start3A = arith.constant 0 : i32
      %dma_start3A_18 = tpu.memref_slice %arg11[%mul3A_2, %dma_start3A] : memref<10112x128xf32, #tpu.memory_space<vmem_shared>> -> memref<632x128xf32, #tpu.memory_space<vmem_shared>>
      %dma_start3A_19 = arith.constant 0 : i32
      %dma_start3A_20 = tpu.memref_slice %arg5[%mul3A_0, %dma_start3A_19] : memref<10112x128xf32, #tpu.memory_space<hbm>> -> memref<632x128xf32, #tpu.memory_space<hbm>>
      tpu.enqueue_dma source(%dma_start3A_20 : memref<632x128xf32, #tpu.memory_space<hbm>>) target(%dma_start3A_18 : memref<632x128xf32, #tpu.memory_space<vmem_shared>>) target_semaphore(%run_scoped3A : memref<!tpu.dma_semaphore, #tpu.memory_space<semaphore_mem>>)
      %dma_wait3A = arith.constant 0 : i32
      %dma_wait3A_21 = tpu.memref_slice %arg11[%mul3A_2, %dma_wait3A] : memref<10112x128xf32, #tpu.memory_space<vmem_shared>> -> memref<632x128xf32, #tpu.memory_space<vmem_shared>>
      %dma_wait3A_22 = arith.constant 0 : i32
      %dma_wait3A_23 = tpu.memref_slice %arg5[%mul3A_0, %dma_wait3A_22] : memref<10112x128xf32, #tpu.memory_space<hbm>> -> memref<632x128xf32, #tpu.memory_space<hbm>>
      tpu.wait_dma2 semaphore(%run_scoped3A : memref<!tpu.dma_semaphore, #tpu.memory_space<semaphore_mem>>) src(%dma_wait3A_23 : memref<632x128xf32, #tpu.memory_space<hbm>>) dst(%dma_wait3A_21 : memref<632x128xf32, #tpu.memory_space<vmem_shared>>)
      tpu.yield
    }) : () -> ()
    %barrier3A = arith.constant 0 : index
    tpu.barrier barrier_id(%barrier3A)
    %mul3A_3 = arith.constant 2 : i32
    %mul3A_4 = arith.muli %arg1, %mul3A_3 : i32
    %add3A = arith.addi %mul3A_4, %arg0 : i32
    "tpu.region"() ({
      %run_scoped3A = tpu.sem_alloc : memref<!tpu.dma_semaphore, #tpu.memory_space<semaphore_mem>>
      %dma_start3A = arith.constant 0 : i32
      %dma_start3A_18 = arith.constant 0 : i32
      %dma_start3A_19 = tpu.memref_slice %arg3[%add3A, %dma_start3A, %dma_start3A_18] : memref<32x79x128xi32, #tpu.memory_space<hbm>> -> memref<1x79x128xi32, #tpu.memory_space<hbm>>
      %dma_start3A_20 = tpu.memref_squeeze %dma_start3A_19 : memref<1x79x128xi32, #tpu.memory_space<hbm>> -> memref<79x128xi32, #tpu.memory_space<hbm>>
      %dma_start3A_21 = arith.constant 0 : i32
      %dma_start3A_22 = arith.constant 0 : i32
      %dma_start3A_23 = tpu.memref_slice %arg3[%add3A, %dma_start3A_21, %dma_start3A_22] : memref<32x79x128xi32, #tpu.memory_space<hbm>> -> memref<1x79x128xi32, #tpu.memory_space<hbm>>
      %dma_start3A_24 = tpu.memref_squeeze %dma_start3A_23 : memref<1x79x128xi32, #tpu.memory_space<hbm>> -> memref<79x128xi32, #tpu.memory_space<hbm>>
      tpu.enqueue_dma source(%dma_start3A_24 : memref<79x128xi32, #tpu.memory_space<hbm>>) target(%arg8 : memref<79x128xi32, #tpu.memory_space<vmem>>) target_semaphore(%run_scoped3A : memref<!tpu.dma_semaphore, #tpu.memory_space<semaphore_mem>>)
      %dma_wait3A = arith.constant 0 : i32
      %dma_wait3A_25 = arith.constant 0 : i32
      %dma_wait3A_26 = tpu.memref_slice %arg3[%add3A, %dma_wait3A, %dma_wait3A_25] : memref<32x79x128xi32, #tpu.memory_space<hbm>> -> memref<1x79x128xi32, #tpu.memory_space<hbm>>
      %dma_wait3A_27 = tpu.memref_squeeze %dma_wait3A_26 : memref<1x79x128xi32, #tpu.memory_space<hbm>> -> memref<79x128xi32, #tpu.memory_space<hbm>>
      %dma_wait3A_28 = arith.constant 0 : i32
      %dma_wait3A_29 = arith.constant 0 : i32
      %dma_wait3A_30 = tpu.memref_slice %arg3[%add3A, %dma_wait3A_28, %dma_wait3A_29] : memref<32x79x128xi32, #tpu.memory_space<hbm>> -> memref<1x79x128xi32, #tpu.memory_space<hbm>>
      %dma_wait3A_31 = tpu.memref_squeeze %dma_wait3A_30 : memref<1x79x128xi32, #tpu.memory_space<hbm>> -> memref<79x128xi32, #tpu.memory_space<hbm>>
      tpu.wait_dma2 semaphore(%run_scoped3A : memref<!tpu.dma_semaphore, #tpu.memory_space<semaphore_mem>>) src(%dma_wait3A_31 : memref<79x128xi32, #tpu.memory_space<hbm>>) dst(%arg8 : memref<79x128xi32, #tpu.memory_space<vmem>>)
      tpu.yield
    }) : () -> ()
    "tpu.region"() ({
      %run_scoped3A = tpu.sem_alloc : memref<!tpu.dma_semaphore, #tpu.memory_space<semaphore_mem>>
      %dma_start3A = arith.constant 0 : i32
      %dma_start3A_18 = arith.constant 0 : i32
      %dma_start3A_19 = tpu.memref_slice %arg4[%add3A, %dma_start3A, %dma_start3A_18] : memref<32x79x128xi32, #tpu.memory_space<hbm>> -> memref<1x79x128xi32, #tpu.memory_space<hbm>>
      %dma_start3A_20 = tpu.memref_squeeze %dma_start3A_19 : memref<1x79x128xi32, #tpu.memory_space<hbm>> -> memref<79x128xi32, #tpu.memory_space<hbm>>
      %dma_start3A_21 = arith.constant 0 : i32
      %dma_start3A_22 = arith.constant 0 : i32
      %dma_start3A_23 = tpu.memref_slice %arg4[%add3A, %dma_start3A_21, %dma_start3A_22] : memref<32x79x128xi32, #tpu.memory_space<hbm>> -> memref<1x79x128xi32, #tpu.memory_space<hbm>>
      %dma_start3A_24 = tpu.memref_squeeze %dma_start3A_23 : memref<1x79x128xi32, #tpu.memory_space<hbm>> -> memref<79x128xi32, #tpu.memory_space<hbm>>
      tpu.enqueue_dma source(%dma_start3A_24 : memref<79x128xi32, #tpu.memory_space<hbm>>) target(%arg9 : memref<79x128xi32, #tpu.memory_space<vmem>>) target_semaphore(%run_scoped3A : memref<!tpu.dma_semaphore, #tpu.memory_space<semaphore_mem>>)
      %dma_wait3A = arith.constant 0 : i32
      %dma_wait3A_25 = arith.constant 0 : i32
      %dma_wait3A_26 = tpu.memref_slice %arg4[%add3A, %dma_wait3A, %dma_wait3A_25] : memref<32x79x128xi32, #tpu.memory_space<hbm>> -> memref<1x79x128xi32, #tpu.memory_space<hbm>>
      %dma_wait3A_27 = tpu.memref_squeeze %dma_wait3A_26 : memref<1x79x128xi32, #tpu.memory_space<hbm>> -> memref<79x128xi32, #tpu.memory_space<hbm>>
      %dma_wait3A_28 = arith.constant 0 : i32
      %dma_wait3A_29 = arith.constant 0 : i32
      %dma_wait3A_30 = tpu.memref_slice %arg4[%add3A, %dma_wait3A_28, %dma_wait3A_29] : memref<32x79x128xi32, #tpu.memory_space<hbm>> -> memref<1x79x128xi32, #tpu.memory_space<hbm>>
      %dma_wait3A_31 = tpu.memref_squeeze %dma_wait3A_30 : memref<1x79x128xi32, #tpu.memory_space<hbm>> -> memref<79x128xi32, #tpu.memory_space<hbm>>
      tpu.wait_dma2 semaphore(%run_scoped3A : memref<!tpu.dma_semaphore, #tpu.memory_space<semaphore_mem>>) src(%dma_wait3A_31 : memref<79x128xi32, #tpu.memory_space<hbm>>) dst(%arg9 : memref<79x128xi32, #tpu.memory_space<vmem>>)
      tpu.yield
    }) : () -> ()
    %scan3A = arith.constant 0 : i32
    %scan3A_5 = arith.constant 0 : i32
    %scan3A_6 = arith.constant 79 : i32
    %scan3A_7 = arith.addi %scan3A_5, %scan3A_6 : i32
    %scan3A_8 = arith.constant 1 : i32
    scf.for %scan3A_18 = %scan3A_5 to %scan3A_7 step %scan3A_8  : i32 {
      %dma_start3A = arith.constant 0 : i32
      %dma_start3A_19 = tpu.memref_slice %arg8[%scan3A_18, %dma_start3A] : memref<79x128xi32, #tpu.memory_space<vmem>> -> memref<1x128xi32, #tpu.memory_space<vmem>>
      %dma_start3A_20 = tpu.memref_squeeze %dma_start3A_19 : memref<1x128xi32, #tpu.memory_space<vmem>> -> memref<128xi32, #tpu.memory_space<vmem>>
      %dma_start3A_21 = arith.constant 0 : i32
      %dma_start3A_22 = arith.constant 0 : i32
      %dma_start3A_23 = tpu.memref_slice %arg2[%dma_start3A_21, %dma_start3A_22] : memref<10000x128xf32, #tpu.memory_space<hbm>> -> memref<10000x128xf32, #tpu.memory_space<hbm>>
      tpu.enqueue_indirect_dma source(%dma_start3A_23 : memref<10000x128xf32, #tpu.memory_space<hbm>>) target(%arg10 : memref<128x128xf32, #tpu.memory_space<vmem>>) offsets(%dma_start3A_20 : memref<128xi32, #tpu.memory_space<vmem>>) semaphore(%arg12 : memref<!tpu.dma_semaphore, #tpu.memory_space<semaphore_mem>>)
      %dma_wait3A = arith.constant 0 : i32
      %dma_wait3A_24 = tpu.memref_slice %arg8[%scan3A_18, %dma_wait3A] : memref<79x128xi32, #tpu.memory_space<vmem>> -> memref<1x128xi32, #tpu.memory_space<vmem>>
      %dma_wait3A_25 = tpu.memref_squeeze %dma_wait3A_24 : memref<1x128xi32, #tpu.memory_space<vmem>> -> memref<128xi32, #tpu.memory_space<vmem>>
      %dma_wait3A_26 = arith.constant 0 : i32
      %dma_wait3A_27 = arith.constant 0 : i32
      %dma_wait3A_28 = tpu.memref_slice %arg2[%dma_wait3A_26, %dma_wait3A_27] : memref<10000x128xf32, #tpu.memory_space<hbm>> -> memref<10000x128xf32, #tpu.memory_space<hbm>>
      tpu.wait_indirect_dma semaphore(%arg12 : memref<!tpu.dma_semaphore, #tpu.memory_space<semaphore_mem>>) src(%dma_wait3A_28 : memref<10000x128xf32, #tpu.memory_space<hbm>>) dst(%arg10 : memref<128x128xf32, #tpu.memory_space<vmem>>)
      "tpu.region"() ({
        %run_scoped3A = tpu.sem_alloc : memref<!tpu.dma_semaphore, #tpu.memory_space<semaphore_mem>>
        %dma_start3A_29 = arith.constant 0 : i32
        %dma_start3A_30 = tpu.memref_slice %arg9[%scan3A_18, %dma_start3A_29] : memref<79x128xi32, #tpu.memory_space<vmem>> -> memref<1x128xi32, #tpu.memory_space<vmem>>
        %dma_start3A_31 = tpu.memref_squeeze %dma_start3A_30 : memref<1x128xi32, #tpu.memory_space<vmem>> -> memref<128xi32, #tpu.memory_space<vmem>>
        %dma_start3A_32 = arith.constant 0 : i32
        %dma_start3A_33 = arith.constant 0 : i32
        %dma_start3A_34 = tpu.memref_slice %arg11[%dma_start3A_32, %dma_start3A_33] : memref<10112x128xf32, #tpu.memory_space<vmem_shared>> -> memref<10112x128xf32, #tpu.memory_space<vmem_shared>>
        tpu.enqueue_indirect_dma source(%arg10 : memref<128x128xf32, #tpu.memory_space<vmem>>) target(%dma_start3A_34 : memref<10112x128xf32, #tpu.memory_space<vmem_shared>>) offsets(%dma_start3A_31 : memref<128xi32, #tpu.memory_space<vmem>>) semaphore(%run_scoped3A : memref<!tpu.dma_semaphore, #tpu.memory_space<semaphore_mem>>) {add = true}
        %dma_wait3A_35 = arith.constant 0 : i32
        %dma_wait3A_36 = tpu.memref_slice %arg9[%scan3A_18, %dma_wait3A_35] : memref<79x128xi32, #tpu.memory_space<vmem>> -> memref<1x128xi32, #tpu.memory_space<vmem>>
        %dma_wait3A_37 = tpu.memref_squeeze %dma_wait3A_36 : memref<1x128xi32, #tpu.memory_space<vmem>> -> memref<128xi32, #tpu.memory_space<vmem>>
        %dma_wait3A_38 = arith.constant 0 : i32
        %dma_wait3A_39 = arith.constant 0 : i32
        %dma_wait3A_40 = tpu.memref_slice %arg11[%dma_wait3A_38, %dma_wait3A_39] : memref<10112x128xf32, #tpu.memory_space<vmem_shared>> -> memref<10112x128xf32, #tpu.memory_space<vmem_shared>>
        tpu.wait_indirect_dma semaphore(%run_scoped3A : memref<!tpu.dma_semaphore, #tpu.memory_space<semaphore_mem>>) src(%arg10 : memref<128x128xf32, #tpu.memory_space<vmem>>) dst(%dma_wait3A_40 : memref<10112x128xf32, #tpu.memory_space<vmem_shared>>)
        tpu.yield
      }) : () -> ()
    }
    %scan3A_9 = arith.constant 79 : i32
    %barrier3A_10 = arith.constant 0 : index
    tpu.barrier barrier_id(%barrier3A_10)
    %eq3A = arith.constant 0 : i32
    %eq3A_11 = arith.cmpi eq, %arg0, %eq3A : i32
    %convert_element_type3A = arith.extui %eq3A_11 : i1 to i32
    %cond3A = arith.constant 0 : i32
    %cond3A_12 = arith.cmpi ne, %convert_element_type3A, %cond3A : i32
    scf.if %cond3A_12 {
      %mul3A_18 = arith.constant 632 : i32
      %mul3A_19 = arith.muli %arg1, %mul3A_18 : i32
      %mul3A_20 = arith.constant 632 : i32
      %mul3A_21 = arith.muli %arg1, %mul3A_20 : i32
      "tpu.region"() ({
        %run_scoped3A = tpu.sem_alloc : memref<!tpu.dma_semaphore, #tpu.memory_space<semaphore_mem>>
        %dma_start3A = arith.constant 0 : i32
        %dma_start3A_22 = tpu.memref_slice %arg6[%mul3A_21, %dma_start3A] : memref<10112x128xf32, #tpu.memory_space<hbm>> -> memref<632x128xf32, #tpu.memory_space<hbm>>
        %dma_start3A_23 = arith.constant 0 : i32
        %dma_start3A_24 = tpu.memref_slice %arg11[%mul3A_19, %dma_start3A_23] : memref<10112x128xf32, #tpu.memory_space<vmem_shared>> -> memref<632x128xf32, #tpu.memory_space<vmem_shared>>
        tpu.enqueue_dma source(%dma_start3A_24 : memref<632x128xf32, #tpu.memory_space<vmem_shared>>) target(%dma_start3A_22 : memref<632x128xf32, #tpu.memory_space<hbm>>) target_semaphore(%run_scoped3A : memref<!tpu.dma_semaphore, #tpu.memory_space<semaphore_mem>>)
        %dma_wait3A = arith.constant 0 : i32
        %dma_wait3A_25 = tpu.memref_slice %arg6[%mul3A_21, %dma_wait3A] : memref<10112x128xf32, #tpu.memory_space<hbm>> -> memref<632x128xf32, #tpu.memory_space<hbm>>
        %dma_wait3A_26 = arith.constant 0 : i32
        %dma_wait3A_27 = tpu.memref_slice %arg11[%mul3A_19, %dma_wait3A_26] : memref<10112x128xf32, #tpu.memory_space<vmem_shared>> -> memref<632x128xf32, #tpu.memory_space<vmem_shared>>
        tpu.wait_dma2 semaphore(%run_scoped3A : memref<!tpu.dma_semaphore, #tpu.memory_space<semaphore_mem>>) src(%dma_wait3A_27 : memref<632x128xf32, #tpu.memory_space<vmem_shared>>) dst(%dma_wait3A_25 : memref<632x128xf32, #tpu.memory_space<hbm>>)
        tpu.yield
      }) : () -> ()
    } else {
    }
    %eq3A_13 = arith.constant 1 : i32
    %eq3A_14 = arith.cmpi eq, %arg0, %eq3A_13 : i32
    %convert_element_type3A_15 = arith.extui %eq3A_14 : i1 to i32
    %cond3A_16 = arith.constant 0 : i32
    %cond3A_17 = arith.cmpi ne, %convert_element_type3A_15, %cond3A_16 : i32
    scf.if %cond3A_17 {
      %mul3A_18 = arith.constant 632 : i32
      %mul3A_19 = arith.muli %arg1, %mul3A_18 : i32
      %mul3A_20 = arith.constant 632 : i32
      %mul3A_21 = arith.muli %arg1, %mul3A_20 : i32
      "tpu.region"() ({
        %run_scoped3A = tpu.sem_alloc : memref<!tpu.dma_semaphore, #tpu.memory_space<semaphore_mem>>
        %dma_start3A = arith.constant 0 : i32
        %dma_start3A_22 = tpu.memref_slice %arg7[%mul3A_21, %dma_start3A] : memref<10112x128xf32, #tpu.memory_space<hbm>> -> memref<632x128xf32, #tpu.memory_space<hbm>>
        %dma_start3A_23 = arith.constant 0 : i32
        %dma_start3A_24 = tpu.memref_slice %arg11[%mul3A_19, %dma_start3A_23] : memref<10112x128xf32, #tpu.memory_space<vmem_shared>> -> memref<632x128xf32, #tpu.memory_space<vmem_shared>>
        tpu.enqueue_dma source(%dma_start3A_24 : memref<632x128xf32, #tpu.memory_space<vmem_shared>>) target(%dma_start3A_22 : memref<632x128xf32, #tpu.memory_space<hbm>>) target_semaphore(%run_scoped3A : memref<!tpu.dma_semaphore, #tpu.memory_space<semaphore_mem>>)
        %dma_wait3A = arith.constant 0 : i32
        %dma_wait3A_25 = tpu.memref_slice %arg7[%mul3A_21, %dma_wait3A] : memref<10112x128xf32, #tpu.memory_space<hbm>> -> memref<632x128xf32, #tpu.memory_space<hbm>>
        %dma_wait3A_26 = arith.constant 0 : i32
        %dma_wait3A_27 = tpu.memref_slice %arg11[%mul3A_19, %dma_wait3A_26] : memref<10112x128xf32, #tpu.memory_space<vmem_shared>> -> memref<632x128xf32, #tpu.memory_space<vmem_shared>>
        tpu.wait_dma2 semaphore(%run_scoped3A : memref<!tpu.dma_semaphore, #tpu.memory_space<semaphore_mem>>) src(%dma_wait3A_27 : memref<632x128xf32, #tpu.memory_space<vmem_shared>>) dst(%dma_wait3A_25 : memref<632x128xf32, #tpu.memory_space<hbm>>)
        tpu.yield
      }) : () -> ()
    } else {
    }
    return
  }
}

module attributes {stable_mosaic.version = 14 : i64} {
  func.func @_mlp_body(%arg0: i32, %arg1: memref<1000x128xf32, #tpu.memory_space<vmem>>, %arg2: memref<128x128xf32, #tpu.memory_space<vmem>>, %arg3: memref<1x128xf32, #tpu.memory_space<vmem>>, %arg4: memref<128x128xf32, #tpu.memory_space<vmem>>, %arg5: memref<1x128xf32, #tpu.memory_space<vmem>>, %arg6: memref<128x2xf32, #tpu.memory_space<vmem>>, %arg7: memref<1x2xf32, #tpu.memory_space<vmem>>, %arg8: memref<1000x128xf32, #tpu.memory_space<vmem>>, %arg9: memref<1000x2xf32, #tpu.memory_space<vmem>>) attributes {dimension_semantics = [#tpu.dimension_semantics<arbitrary>], iteration_bounds = array<i64: 10>, scalar_prefetch = 0 : i64, scratch_operands = 0 : i64, tpu.core_type = #tpu.core_type<tc>, window_params = [{transform_indices = @transform_0, window_bounds = array<i64: 1000, 128>}, {pipeline_mode = #tpu.pipeline_mode<synchronous>, transform_indices = @transform_1, window_bounds = array<i64: 128, 128>}, {pipeline_mode = #tpu.pipeline_mode<synchronous>, transform_indices = @transform_2, window_bounds = array<i64: 1, 128>}, {pipeline_mode = #tpu.pipeline_mode<synchronous>, transform_indices = @transform_3, window_bounds = array<i64: 128, 128>}, {pipeline_mode = #tpu.pipeline_mode<synchronous>, transform_indices = @transform_4, window_bounds = array<i64: 1, 128>}, {pipeline_mode = #tpu.pipeline_mode<synchronous>, transform_indices = @transform_5, window_bounds = array<i64: 128, 2>}, {pipeline_mode = #tpu.pipeline_mode<synchronous>, transform_indices = @transform_6, window_bounds = array<i64: 1, 2>}, {transform_indices = @transform_7, window_bounds = array<i64: 1000, 128>}, {transform_indices = @transform_8, window_bounds = array<i64: 1000, 2>}]} {
    %get3A = arith.constant 0 : index
    %get3A_0 = arith.constant 0 : index
    %get3A_1 = vector.load %arg1[%get3A, %get3A_0] : memref<1000x128xf32, #tpu.memory_space<vmem>>, vector<1000x128xf32>
    %get3A_2 = arith.constant 0 : index
    %get3A_3 = arith.constant 0 : index
    %get3A_4 = vector.load %arg2[%get3A_2, %get3A_3] : memref<128x128xf32, #tpu.memory_space<vmem>>, vector<128x128xf32>
    %dot_general3A = arith.constant dense<0.000000e+00> : vector<1000x128xf32>
    %dot_general3A_5 = tpu.matmul %get3A_1, %get3A_4, %dot_general3A {dimension_numbers = #tpu.dot_dimension_numbers<[1], [0], [0], [1], [0, 0, 1, 1], [], []>, transpose_lhs_hint = false} : vector<1000x128xf32>, vector<128x128xf32>, vector<1000x128xf32> -> vector<1000x128xf32>
    %get3A_6 = arith.constant 0 : index
    %get3A_7 = arith.constant 0 : index
    %get3A_8 = vector.load %arg3[%get3A_6, %get3A_7] : memref<1x128xf32, #tpu.memory_space<vmem>>, vector<1x128xf32>
    %add3A = vector.broadcast %get3A_8 : vector<1x128xf32> to vector<1000x128xf32>
    %add3A_9 = arith.addf %dot_general3A_5, %add3A : vector<1000x128xf32>
    %max3A = arith.constant 0.000000e+00 : f32
    %max3A_10 = vector.broadcast %max3A : f32 to vector<1000x128xf32>
    %max3A_11 = arith.maximumf %add3A_9, %max3A_10 : vector<1000x128xf32>
    %get3A_12 = arith.constant 0 : index
    %get3A_13 = arith.constant 0 : index
    %get3A_14 = vector.load %arg4[%get3A_12, %get3A_13] : memref<128x128xf32, #tpu.memory_space<vmem>>, vector<128x128xf32>
    %dot_general3A_15 = arith.constant dense<0.000000e+00> : vector<1000x128xf32>
    %dot_general3A_16 = tpu.matmul %max3A_11, %get3A_14, %dot_general3A_15 {dimension_numbers = #tpu.dot_dimension_numbers<[1], [0], [0], [1], [0, 0, 1, 1], [], []>, transpose_lhs_hint = false} : vector<1000x128xf32>, vector<128x128xf32>, vector<1000x128xf32> -> vector<1000x128xf32>
    %get3A_17 = arith.constant 0 : index
    %get3A_18 = arith.constant 0 : index
    %get3A_19 = vector.load %arg5[%get3A_17, %get3A_18] : memref<1x128xf32, #tpu.memory_space<vmem>>, vector<1x128xf32>
    %add3A_20 = vector.broadcast %get3A_19 : vector<1x128xf32> to vector<1000x128xf32>
    %add3A_21 = arith.addf %dot_general3A_16, %add3A_20 : vector<1000x128xf32>
    %max3A_22 = arith.constant 0.000000e+00 : f32
    %max3A_23 = vector.broadcast %max3A_22 : f32 to vector<1000x128xf32>
    %max3A_24 = arith.maximumf %add3A_21, %max3A_23 : vector<1000x128xf32>
    %swap3A = arith.constant 0 : index
    %swap3A_25 = arith.constant 0 : index
    %swap3A_26 = vector.load %arg8[%swap3A, %swap3A_25] : memref<1000x128xf32, #tpu.memory_space<vmem>>, vector<1000x128xf32>
    tpu.vector_store %arg8[%swap3A, %swap3A_25], %max3A_24 {strides = array<i32>} : memref<1000x128xf32, #tpu.memory_space<vmem>>, vector<1000x128xf32>,
    %get3A_27 = arith.constant 0 : index
    %get3A_28 = arith.constant 0 : index
    %get3A_29 = vector.load %arg6[%get3A_27, %get3A_28] : memref<128x2xf32, #tpu.memory_space<vmem>>, vector<128x2xf32>
    %dot_general3A_30 = arith.constant dense<0.000000e+00> : vector<1000x2xf32>
    %dot_general3A_31 = tpu.matmul %get3A_1, %get3A_29, %dot_general3A_30 {dimension_numbers = #tpu.dot_dimension_numbers<[1], [0], [0], [1], [0, 0, 1, 1], [], []>, transpose_lhs_hint = false} : vector<1000x128xf32>, vector<128x2xf32>, vector<1000x2xf32> -> vector<1000x2xf32>
    %get3A_32 = arith.constant 0 : index
    %get3A_33 = arith.constant 0 : index
    %get3A_34 = vector.load %arg7[%get3A_32, %get3A_33] : memref<1x2xf32, #tpu.memory_space<vmem>>, vector<1x2xf32>
    %add3A_35 = vector.broadcast %get3A_34 : vector<1x2xf32> to vector<1000x2xf32>
    %add3A_36 = arith.addf %dot_general3A_31, %add3A_35 : vector<1000x2xf32>
    %swap3A_37 = arith.constant 0 : index
    %swap3A_38 = arith.constant 0 : index
    %swap3A_39 = vector.load %arg9[%swap3A_37, %swap3A_38] : memref<1000x2xf32, #tpu.memory_space<vmem>>, vector<1000x2xf32>
    tpu.vector_store %arg9[%swap3A_37, %swap3A_38], %add3A_36 {strides = array<i32>} : memref<1000x2xf32, #tpu.memory_space<vmem>>, vector<1000x2xf32>,
    return
  }
  func.func @transform_0(%arg0: i32) -> (i32, i32) {
    %c0_i32 = arith.constant 0 : i32
    %c0_i32_0 = arith.constant 0 : i32
    return %arg0, %c0_i32 : i32, i32
  }
  func.func @transform_1(%arg0: i32) -> (i32, i32) {
    %c0_i32 = arith.constant 0 : i32
    %c0_i32_0 = arith.constant 0 : i32
    %c0_i32_1 = arith.constant 0 : i32
    return %c0_i32, %c0_i32_0 : i32, i32
  }
  func.func @transform_2(%arg0: i32) -> (i32, i32) {
    %c0_i32 = arith.constant 0 : i32
    %c0_i32_0 = arith.constant 0 : i32
    %c0_i32_1 = arith.constant 0 : i32
    return %c0_i32, %c0_i32_0 : i32, i32
  }
  func.func @transform_3(%arg0: i32) -> (i32, i32) {
    %c0_i32 = arith.constant 0 : i32
    %c0_i32_0 = arith.constant 0 : i32
    %c0_i32_1 = arith.constant 0 : i32
    return %c0_i32, %c0_i32_0 : i32, i32
  }
  func.func @transform_4(%arg0: i32) -> (i32, i32) {
    %c0_i32 = arith.constant 0 : i32
    %c0_i32_0 = arith.constant 0 : i32
    %c0_i32_1 = arith.constant 0 : i32
    return %c0_i32, %c0_i32_0 : i32, i32
  }
  func.func @transform_5(%arg0: i32) -> (i32, i32) {
    %c0_i32 = arith.constant 0 : i32
    %c0_i32_0 = arith.constant 0 : i32
    %c0_i32_1 = arith.constant 0 : i32
    return %c0_i32, %c0_i32_0 : i32, i32
  }
  func.func @transform_6(%arg0: i32) -> (i32, i32) {
    %c0_i32 = arith.constant 0 : i32
    %c0_i32_0 = arith.constant 0 : i32
    %c0_i32_1 = arith.constant 0 : i32
    return %c0_i32, %c0_i32_0 : i32, i32
  }
  func.func @transform_7(%arg0: i32) -> (i32, i32) {
    %c0_i32 = arith.constant 0 : i32
    %c0_i32_0 = arith.constant 0 : i32
    return %arg0, %c0_i32 : i32, i32
  }
  func.func @transform_8(%arg0: i32) -> (i32, i32) {
    %c0_i32 = arith.constant 0 : i32
    %c0_i32_0 = arith.constant 0 : i32
    return %arg0, %c0_i32 : i32, i32
  }
}

module attributes {stable_mosaic.version = 14 : i64} {
  func.func @_merge_body(%arg0: i32, %arg1: memref<1000x128xf32, #tpu.memory_space<vmem>>, %arg2: memref<1000x128xf32, #tpu.memory_space<vmem>>, %arg3: memref<1000x128xf32, #tpu.memory_space<vmem>>) attributes {dimension_semantics = [#tpu.dimension_semantics<arbitrary>], iteration_bounds = array<i64: 10>, scalar_prefetch = 0 : i64, scratch_operands = 0 : i64, tpu.core_type = #tpu.core_type<tc>, window_params = [{transform_indices = @transform_0, window_bounds = array<i64: 1000, 128>}, {transform_indices = @transform_1, window_bounds = array<i64: 1000, 128>}, {transform_indices = @transform_2, window_bounds = array<i64: 1000, 128>}]} {
    %get3A = arith.constant 0 : index
    %get3A_0 = arith.constant 0 : index
    %get3A_1 = vector.load %arg1[%get3A, %get3A_0] : memref<1000x128xf32, #tpu.memory_space<vmem>>, vector<1000x128xf32>
    %get3A_2 = arith.constant 0 : index
    %get3A_3 = arith.constant 0 : index
    %get3A_4 = vector.load %arg2[%get3A_2, %get3A_3] : memref<1000x128xf32, #tpu.memory_space<vmem>>, vector<1000x128xf32>
    %add3A = arith.addf %get3A_1, %get3A_4 : vector<1000x128xf32>
    %swap3A = arith.constant 0 : index
    %swap3A_5 = arith.constant 0 : index
    %swap3A_6 = vector.load %arg3[%swap3A, %swap3A_5] : memref<1000x128xf32, #tpu.memory_space<vmem>>, vector<1000x128xf32>
    tpu.vector_store %arg3[%swap3A, %swap3A_5], %add3A {strides = array<i32>} : memref<1000x128xf32, #tpu.memory_space<vmem>>, vector<1000x128xf32>,
    return
  }
  func.func @transform_0(%arg0: i32) -> (i32, i32) {
    %c0_i32 = arith.constant 0 : i32
    %c0_i32_0 = arith.constant 0 : i32
    return %arg0, %c0_i32 : i32, i32
  }
  func.func @transform_1(%arg0: i32) -> (i32, i32) {
    %c0_i32 = arith.constant 0 : i32
    %c0_i32_0 = arith.constant 0 : i32
    return %arg0, %c0_i32 : i32, i32
  }
  func.func @transform_2(%arg0: i32) -> (i32, i32) {
    %c0_i32 = arith.constant 0 : i32
    %c0_i32_0 = arith.constant 0 : i32
    return %arg0, %c0_i32 : i32, i32
  }
}

module attributes {stable_mosaic.version = 14 : i64} {
  func.func @_post_body(%arg0: i32, %arg1: memref<1000x128xf32, #tpu.memory_space<vmem>>, %arg2: memref<1000x128xf32, #tpu.memory_space<vmem>>, %arg3: memref<1000x128xf32, #tpu.memory_space<vmem>>, %arg4: memref<1000x128xf32, #tpu.memory_space<vmem>>, %arg5: memref<384x128xf32, #tpu.memory_space<vmem>>, %arg6: memref<1x128xf32, #tpu.memory_space<vmem>>, %arg7: memref<128x2xf32, #tpu.memory_space<vmem>>, %arg8: memref<1x2xf32, #tpu.memory_space<vmem>>, %arg9: memref<1000x2xf32, #tpu.memory_space<vmem>>, %arg10: memref<1000x128xf32, #tpu.memory_space<vmem>>, %arg11: memref<1000x2xf32, #tpu.memory_space<vmem>>) attributes {dimension_semantics = [#tpu.dimension_semantics<arbitrary>], iteration_bounds = array<i64: 10>, scalar_prefetch = 0 : i64, scratch_operands = 0 : i64, tpu.core_type = #tpu.core_type<tc>, window_params = [{transform_indices = @transform_0, window_bounds = array<i64: 1000, 128>}, {transform_indices = @transform_1, window_bounds = array<i64: 1000, 128>}, {transform_indices = @transform_2, window_bounds = array<i64: 1000, 128>}, {transform_indices = @transform_3, window_bounds = array<i64: 1000, 128>}, {pipeline_mode = #tpu.pipeline_mode<synchronous>, transform_indices = @transform_4, window_bounds = array<i64: 384, 128>}, {pipeline_mode = #tpu.pipeline_mode<synchronous>, transform_indices = @transform_5, window_bounds = array<i64: 1, 128>}, {pipeline_mode = #tpu.pipeline_mode<synchronous>, transform_indices = @transform_6, window_bounds = array<i64: 128, 2>}, {pipeline_mode = #tpu.pipeline_mode<synchronous>, transform_indices = @transform_7, window_bounds = array<i64: 1, 2>}, {transform_indices = @transform_8, window_bounds = array<i64: 1000, 2>}, {transform_indices = @transform_9, window_bounds = array<i64: 1000, 128>}, {transform_indices = @transform_10, window_bounds = array<i64: 1000, 2>}]} {
    %get3A = arith.constant 0 : index
    %get3A_0 = arith.constant 0 : index
    %get3A_1 = vector.load %arg1[%get3A, %get3A_0] : memref<1000x128xf32, #tpu.memory_space<vmem>>, vector<1000x128xf32>
    %get3A_2 = arith.constant 0 : index
    %get3A_3 = arith.constant 0 : index
    %get3A_4 = vector.load %arg2[%get3A_2, %get3A_3] : memref<1000x128xf32, #tpu.memory_space<vmem>>, vector<1000x128xf32>
    %get3A_5 = arith.constant 0 : index
    %get3A_6 = arith.constant 0 : index
    %get3A_7 = vector.load %arg3[%get3A_5, %get3A_6] : memref<1000x128xf32, #tpu.memory_space<vmem>>, vector<1000x128xf32>
    %get3A_8 = arith.constant 0 : index
    %get3A_9 = arith.constant 0 : index
    %get3A_10 = vector.load %arg4[%get3A_8, %get3A_9] : memref<1000x128xf32, #tpu.memory_space<vmem>>, vector<1000x128xf32>
    %add3A = arith.addf %get3A_7, %get3A_10 : vector<1000x128xf32>
    %mul3A = arith.constant 3.000000e+00 : f32
    %mul3A_11 = vector.broadcast %mul3A : f32 to vector<1000x128xf32>
    %mul3A_12 = arith.mulf %mul3A_11, %get3A_1 : vector<1000x128xf32>
    %mul3A_13 = arith.constant -3.000000e+00 : f32
    %mul3A_14 = vector.broadcast %mul3A_13 : f32 to vector<1000x128xf32>
    %mul3A_15 = arith.mulf %mul3A_14, %get3A_4 : vector<1000x128xf32>
    %add3A_16 = arith.addf %mul3A_12, %mul3A_15 : vector<1000x128xf32>
    %mul3A_17 = arith.constant 7.500000e-01 : f32
    %mul3A_18 = vector.broadcast %mul3A_17 : f32 to vector<1000x128xf32>
    %mul3A_19 = arith.mulf %mul3A_18, %add3A : vector<1000x128xf32>
    %add3A_20 = arith.addf %add3A_16, %mul3A_19 : vector<1000x128xf32>
    %mul3A_21 = arith.constant 3.000000e+00 : f32
    %mul3A_22 = vector.broadcast %mul3A_21 : f32 to vector<1000x128xf32>
    %mul3A_23 = arith.mulf %mul3A_22, %get3A_4 : vector<1000x128xf32>
    %mul3A_24 = arith.constant -1.500000e+00 : f32
    %mul3A_25 = vector.broadcast %mul3A_24 : f32 to vector<1000x128xf32>
    %mul3A_26 = arith.mulf %mul3A_25, %add3A : vector<1000x128xf32>
    %add3A_27 = arith.addf %mul3A_23, %mul3A_26 : vector<1000x128xf32>
    %mul3A_28 = arith.constant 7.500000e-01 : f32
    %mul3A_29 = vector.broadcast %mul3A_28 : f32 to vector<1000x128xf32>
    %mul3A_30 = arith.mulf %mul3A_29, %add3A : vector<1000x128xf32>
    %concatenate3A = tpu.concatenate %add3A_20, %add3A_27, %mul3A_30 in 1 : vector<1000x128xf32>, vector<1000x128xf32>, vector<1000x128xf32> -> vector<1000x384xf32>
    %get3A_31 = arith.constant 0 : index
    %get3A_32 = arith.constant 0 : index
    %get3A_33 = vector.load %arg5[%get3A_31, %get3A_32] : memref<384x128xf32, #tpu.memory_space<vmem>>, vector<384x128xf32>
    %dot_general3A = arith.constant dense<0.000000e+00> : vector<1000x128xf32>
    %dot_general3A_34 = tpu.matmul %concatenate3A, %get3A_33, %dot_general3A {dimension_numbers = #tpu.dot_dimension_numbers<[1], [0], [0], [1], [0, 0, 1, 1], [], []>, transpose_lhs_hint = false} : vector<1000x384xf32>, vector<384x128xf32>, vector<1000x128xf32> -> vector<1000x128xf32>
    %get3A_35 = arith.constant 0 : index
    %get3A_36 = arith.constant 0 : index
    %get3A_37 = vector.load %arg6[%get3A_35, %get3A_36] : memref<1x128xf32, #tpu.memory_space<vmem>>, vector<1x128xf32>
    %add3A_38 = vector.broadcast %get3A_37 : vector<1x128xf32> to vector<1000x128xf32>
    %add3A_39 = arith.addf %dot_general3A_34, %add3A_38 : vector<1000x128xf32>
    %max3A = arith.constant 0.000000e+00 : f32
    %max3A_40 = vector.broadcast %max3A : f32 to vector<1000x128xf32>
    %max3A_41 = arith.maximumf %add3A_39, %max3A_40 : vector<1000x128xf32>
    %swap3A = arith.constant 0 : index
    %swap3A_42 = arith.constant 0 : index
    %swap3A_43 = vector.load %arg10[%swap3A, %swap3A_42] : memref<1000x128xf32, #tpu.memory_space<vmem>>, vector<1000x128xf32>
    tpu.vector_store %arg10[%swap3A, %swap3A_42], %max3A_41 {strides = array<i32>} : memref<1000x128xf32, #tpu.memory_space<vmem>>, vector<1000x128xf32>,
    %get3A_44 = arith.constant 0 : index
    %get3A_45 = arith.constant 0 : index
    %get3A_46 = vector.load %arg7[%get3A_44, %get3A_45] : memref<128x2xf32, #tpu.memory_space<vmem>>, vector<128x2xf32>
    %dot_general3A_47 = arith.constant dense<0.000000e+00> : vector<1000x2xf32>
    %dot_general3A_48 = tpu.matmul %max3A_41, %get3A_46, %dot_general3A_47 {dimension_numbers = #tpu.dot_dimension_numbers<[1], [0], [0], [1], [0, 0, 1, 1], [], []>, transpose_lhs_hint = false} : vector<1000x128xf32>, vector<128x2xf32>, vector<1000x2xf32> -> vector<1000x2xf32>
    %get3A_49 = arith.constant 0 : index
    %get3A_50 = arith.constant 0 : index
    %get3A_51 = vector.load %arg8[%get3A_49, %get3A_50] : memref<1x2xf32, #tpu.memory_space<vmem>>, vector<1x2xf32>
    %add3A_52 = vector.broadcast %get3A_51 : vector<1x2xf32> to vector<1000x2xf32>
    %add3A_53 = arith.addf %dot_general3A_48, %add3A_52 : vector<1000x2xf32>
    %get3A_54 = arith.constant 0 : index
    %get3A_55 = arith.constant 0 : index
    %get3A_56 = vector.load %arg9[%get3A_54, %get3A_55] : memref<1000x2xf32, #tpu.memory_space<vmem>>, vector<1000x2xf32>
    %add3A_57 = arith.addf %add3A_53, %get3A_56 : vector<1000x2xf32>
    %swap3A_58 = arith.constant 0 : index
    %swap3A_59 = arith.constant 0 : index
    %swap3A_60 = vector.load %arg11[%swap3A_58, %swap3A_59] : memref<1000x2xf32, #tpu.memory_space<vmem>>, vector<1000x2xf32>
    tpu.vector_store %arg11[%swap3A_58, %swap3A_59], %add3A_57 {strides = array<i32>} : memref<1000x2xf32, #tpu.memory_space<vmem>>, vector<1000x2xf32>,
    return
  }
  func.func @transform_0(%arg0: i32) -> (i32, i32) {
    %c0_i32 = arith.constant 0 : i32
    %c0_i32_0 = arith.constant 0 : i32
    return %arg0, %c0_i32 : i32, i32
  }
  func.func @transform_1(%arg0: i32) -> (i32, i32) {
    %c0_i32 = arith.constant 0 : i32
    %c0_i32_0 = arith.constant 0 : i32
    return %arg0, %c0_i32 : i32, i32
  }
  func.func @transform_2(%arg0: i32) -> (i32, i32) {
    %c0_i32 = arith.constant 0 : i32
    %c0_i32_0 = arith.constant 0 : i32
    return %arg0, %c0_i32 : i32, i32
  }
  func.func @transform_3(%arg0: i32) -> (i32, i32) {
    %c0_i32 = arith.constant 0 : i32
    %c0_i32_0 = arith.constant 0 : i32
    return %arg0, %c0_i32 : i32, i32
  }
  func.func @transform_4(%arg0: i32) -> (i32, i32) {
    %c0_i32 = arith.constant 0 : i32
    %c0_i32_0 = arith.constant 0 : i32
    %c0_i32_1 = arith.constant 0 : i32
    return %c0_i32, %c0_i32_0 : i32, i32
  }
  func.func @transform_5(%arg0: i32) -> (i32, i32) {
    %c0_i32 = arith.constant 0 : i32
    %c0_i32_0 = arith.constant 0 : i32
    %c0_i32_1 = arith.constant 0 : i32
    return %c0_i32, %c0_i32_0 : i32, i32
  }
  func.func @transform_6(%arg0: i32) -> (i32, i32) {
    %c0_i32 = arith.constant 0 : i32
    %c0_i32_0 = arith.constant 0 : i32
    %c0_i32_1 = arith.constant 0 : i32
    return %c0_i32, %c0_i32_0 : i32, i32
  }
  func.func @transform_7(%arg0: i32) -> (i32, i32) {
    %c0_i32 = arith.constant 0 : i32
    %c0_i32_0 = arith.constant 0 : i32
    %c0_i32_1 = arith.constant 0 : i32
    return %c0_i32, %c0_i32_0 : i32, i32
  }
  func.func @transform_8(%arg0: i32) -> (i32, i32) {
    %c0_i32 = arith.constant 0 : i32
    %c0_i32_0 = arith.constant 0 : i32
    return %arg0, %c0_i32 : i32, i32
  }
  func.func @transform_9(%arg0: i32) -> (i32, i32) {
    %c0_i32 = arith.constant 0 : i32
    %c0_i32_0 = arith.constant 0 : i32
    return %arg0, %c0_i32 : i32, i32
  }
  func.func @transform_10(%arg0: i32) -> (i32, i32) {
    %c0_i32 = arith.constant 0 : i32
    %c0_i32_0 = arith.constant 0 : i32
    return %arg0, %c0_i32 : i32, i32
  }
}

</mosaic_0001>

<sc_bundles>
// kernel: kernel.10.cloned.1.call-start
scs
__scs_entry_jumppad:
0x0: {  	(pc) =	sbr.rel $0x88, $3  }
0x1: {  	(tag) =	ssettag $0x0;
	lr =	simm.s32 $0x1  }
0x2: {  	[smem:$0x3F95] =	sst lr;
	_ =	strace $0xD0000000  }
0x3: {  	_ = 	snop  }
0x4: {  	_ = 	snop  }
0x5: {  	_ = 	snop  }
0x6: {  	_ = 	snop  }
0x7: {  	_ = 	snop  }
__scs_overlays_trampoline_lowered:
0x8: {  	[smem:$0x3FA4] =	sst s0  }
0x9: {  	[smem:$0x3FA5] =	sst s1  }
0xa: {  	[smem:$0x3FA6] =	sst s2  }
0xb: {  	[smem:$0x3FA7] =	sst s3  }
0xc: {  	[smem:$0x3FA8] =	sst s4  }
0xd: {  	[smem:$0x3FA9] =	sst s5  }
0xe: {  	[smem:$0x3FAA] =	sst s6  }
0xf: {  	[smem:$0x3FAB] =	sst s7  }
0x10: {  	[smem:$0x3FAC] =	sst s8  }
0x11: {  	[smem:$0x3FAD] =	sst s9;
	s0 =	simm.s32 @!p0 $0x0  }
0x12: {  	s1 =	sld [smem:$0x3F93];
	s0 =	simm.s32 @p0 $0x1  }
0x13: {  	[smem:$0x3FAE] =	sst s0;
	s0 =	simm.s32 @!p1 $0x0  }
0x14: {  	s2 =	sld [smem:$0x3F92];
	s0 =	simm.s32 @p1 $0x1  }
0x15: {  	[smem:$0x3FAF] =	sst s0;
	s0 =	simm.s32 @!p2 $0x0  }
0x16: {  	s3 =	sld [smem:$0x3FDB];
	s0 =	simm.s32 @p2 $0x1  }
0x17: {  	s4 =	simm.s32 $0x1BF5;
	[smem:$0x3FB1] =	sst s0  }
0x18: {  	s0 =	sld [smem:$0x3F94];
	_ =	swait.ge [sflag:s4], $0x0  }
0x19: {  	s7 =	sld [smem:$0x3F95]  }
0x1a: {  	s8 =	sadd.s32 $0xFFFFE003, lr  }
0x1b: {  	s9 =	sadd.s32 $0xFFFFFEF7, lr;
	s5 =	simm.s32 $0xFFFFFFFF;
	p2 =	slt.u32 s8, $0xFFFFF086  }
0x1c: {  	p1 =	slt.u32 s9, $0xF7A;
	s5 =	simm.s32 @!p2 $0x0  }
0x1d: {  	s5 =	simm.s32 @p1 $0x1;
	p0 =	seq.s32 s7, s2  }
0x1e: {  	s7 =	smul.u32 @!p0 $0xF7A, s2;
	p2 =	seq.s32 @!p0 s5, $0x0  }
0x1f: {  	s9 =	smul.u32 $0xF7A, s1;
	s8 =	simm.s32 @!p0 $0x1BF5;
	p2 =	por !p2, p0  }
0x20: {  	[sflag:s8] =	ssyncset.s32 @!p0 $0xFFFFF086;
	s6 =	sadd.s32 @!p0 s3, s7;
	s7 =	simm.s32 @!p0 $0x108  }
0x21: {  	s3 =	sadd.s32 s3, s9;
	s6 =	sadd.s32 @!p0 $0x88, s6;
	s7 =	simm.s32 @p2 $0x1082  }
0x22: {  	[simem:s7], [sflag:s8] =	dma.local @!p0 [hbm:s6], $0xF7A  }
0x23: {  	s9 =	sor.u32 $0xD0000000, s2;
	s6 =	simm.s32 $0x108;
	_ =	swait.ge @!p0 [sflag:s8], $0x0  }
0x24: {  	s3 =	sadd.s32 $0x88, s3;
	s6 =	simm.s32 @!p1 $0x1082;
	[sflag:s4] =	ssyncset.s32 $0xFFFFF086  }
0x25: {  	[simem:s6], [sflag:s4] =	dma.local [hbm:s3], $0xF7A  }
0x26: {  	[smem:$0x3F95] =	sst s1;
	(tag) =	ssettag s2;
	_ =	strace s9  }
0x27: {  	s1 =	sld [smem:$0x3FA5]  }
0x28: {  	s2 =	sld [smem:$0x3FA6]  }
0x29: {  	s4 =	sld [smem:$0x3FA8]  }
0x2a: {  	p0 =	seq.s32 s5, $0x0;
	s5 =	sld [smem:$0x3FA9]  }
0x2b: {  	s6 =	sld [smem:$0x3FAA]  }
0x2c: {  	s7 =	sld [smem:$0x3FAB]  }
0x2d: {  	s3 =	simm.s32 $0x108;
	s8 =	sld [smem:$0x3FAC]  }
0x2e: {  	s3 =	simm.s32 @!p0 $0x1082;
	s9 =	sld [smem:$0x3FAD]  }
0x2f: {  	lr =	sadd.s32 s0, s3;
	s0 =	sld [smem:$0x3FA4]  }
0x30: {  	s3 =	sld [smem:$0x3FA7]  }
0x31: {  	[smem:$0x3FB0] =	sst s10  }
0x32: {  	s10 =	sld [smem:$0x3FAE];
	_ =	sdelay $0x3  }
0x33: {  	p0 =	seq.s32 s10, $0x1;
	s10 =	sld [smem:$0x3FB0];
	_ =	sdelay $0x3  }
0x34: {  	[smem:$0x3FB0] =	sst s10  }
0x35: {  	s10 =	sld [smem:$0x3FAF];
	_ =	sdelay $0x3  }
0x36: {  	p1 =	seq.s32 s10, $0x1;
	s10 =	sld [smem:$0x3FB0];
	_ =	sdelay $0x3  }
0x37: {  	[smem:$0x3FB0] =	sst s10  }
0x38: {  	s10 =	sld [smem:$0x3FB1]  }
0x39: {  	_ = 	snop;
	(pc) =	sbr.ind lr, $3  }
0x3a: {  	_ = 	snop  }
0x3b: {  	_ = 	snop  }
0x3c: {  	p2 =	seq.s32 s10, $0x1;
	s10 =	sld [smem:$0x3FB0]  }
0x3d: {  	_ =	shalt  }
0x3e: {  	_ =	shalt  }
0x3f: {  	_ =	shalt  }
0x40: {  	_ =	shalt  }
0x41: {  	_ =	shalt  }
0x42: {  	_ =	shalt  }
0x43: {  	_ =	shalt  }
0x44: {  	_ =	shalt  }
0x45: {  	_ =	shalt  }
0x46: {  	_ =	shalt  }
0x47: {  	_ =	shalt  }
0x48: {  	_ =	shalt  }
0x49: {  	_ =	shalt  }
0x4a: {  	_ =	shalt  }
0x4b: {  	_ =	shalt  }
0x4c: {  	_ =	shalt  }
0x4d: {  	_ =	shalt  }
0x4e: {  	_ =	shalt  }
0x4f: {  	_ =	shalt  }
0x50: {  	_ =	shalt  }
0x51: {  	_ =	shalt  }
0x52: {  	_ =	shalt  }
0x53: {  	_ =	shalt  }
0x54: {  	_ =	shalt  }
0x55: {  	_ =	shalt  }
0x56: {  	_ =	shalt  }
0x57: {  	_ =	shalt  }
0x58: {  	_ =	shalt  }
0x59: {  	_ =	shalt  }
0x5a: {  	_ =	shalt  }
0x5b: {  	_ =	shalt  }
0x5c: {  	_ =	shalt  }
0x5d: {  	_ =	shalt  }
0x5e: {  	_ =	shalt  }
0x5f: {  	_ =	shalt  }
0x60: {  	_ =	shalt  }
0x61: {  	_ =	shalt  }
0x62: {  	_ =	shalt  }
0x63: {  	_ =	shalt  }
0x64: {  	_ =	shalt  }
0x65: {  	_ =	shalt  }
0x66: {  	_ =	shalt  }
0x67: {  	_ =	shalt  }
0x68: {  	_ =	shalt  }
0x69: {  	_ =	shalt  }
0x6a: {  	_ =	shalt  }
0x6b: {  	_ =	shalt  }
0x6c: {  	_ =	shalt  }
0x6d: {  	_ =	shalt  }
0x6e: {  	_ =	shalt  }
0x6f: {  	_ =	shalt  }
0x70: {  	_ =	shalt  }
0x71: {  	_ =	shalt  }
0x72: {  	_ =	shalt  }
0x73: {  	_ =	shalt  }
0x74: {  	_ =	shalt  }
0x75: {  	_ =	shalt  }
0x76: {  	_ =	shalt  }
0x77: {  	_ =	shalt  }
0x78: {  	_ =	shalt  }
0x79: {  	_ =	shalt  }
0x7a: {  	_ =	shalt  }
0x7b: {  	_ =	shalt  }
0x7c: {  	_ =	shalt  }
0x7d: {  	_ =	shalt  }
0x7e: {  	_ =	shalt  }
0x7f: {  	_ =	shalt  }
0x80: {  	_ =	shalt  }
0x81: {  	_ =	shalt  }
0x82: {  	_ =	shalt  }
0x83: {  	_ =	shalt  }
0x84: {  	_ =	shalt  }
0x85: {  	_ =	shalt  }
0x86: {  	_ =	shalt  }
0x87: {  	_ =	shalt  }
.Lfunc_end0:
.L_simem_size_0:
called_computation.1_lowered:
.L_overlay_start_0:
0x88: {  	s2 =	sld [smem:$0x3FD9]  }
0x89: {  	s3 =	sld [smem:$0x3FFE];
	_ =	sdelay $0x1  }
0x8a: {  	s1 =	srdreg.scid  }
0x8b: {  	s0 =	sand.u32 $0x1, s1  }
0x8c: {  	s16 =	sshll.u32 s0, $0xA;
	s2 =	sadd.s32 s3, s2  }
0x8d: {  	s2 =	sadd.s32 s2, s16  }
0x8e: {  	[smem:$0x3FBC] =	sst s2  }
0x8f: {  	_ = 	snop  }
0x90: {  	(tm) =	ssettm $0x1  }
0x91: {  	s17 =	sld [smem:$0x3FFB];
	_ =	sdelay $0x3  }
0x92: {  	_ =	strace s17  }
0x93: {  	s2 =	sld [smem:$0x3FFC];
	_ =	sdelay $0x3  }
0x94: {  	_ =	strace s2  }
0x95: {  	s2 =	sld [smem:$0x3FFD];
	_ =	sdelay $0x3  }
0x96: {  	_ =	strace s2  }
0x97: {  	_ =	strace $0x8FFFFFFF  }
0x98: {  	s18 =	sld [smem:$0x3FDB];
	_ =	sdelay $0x1  }
0x99: {  	s19 =	simm.s32 $_scs_section_size  }
0x9a: {  	s4 =	simm.s32 $_size__tile_overlayer_lowered;
	s5 =	simm.s32 $_tile_overlayer_lowered  }
0x9b: {  	s22 =	simm.s32 $0x1BFF;
	s21 =	sshll.u32 s5, $0x1;
	s2 =	sadd.s32 s19, s18  }
0x9c: {  	s6 =	simm.s32 $0x0;
	s20 =	sshll.u32 s4, $0x1;
	s4 =	sadd.s32 s21, s2  }
0x9d: {  	[timem:s6], [sflag:s22] =	dma.local [hbm:s4], s20  }
0x9e: {  	_ =	swait.ge [sflag:s22], s20  }
0x9f: {  	s3 =	ssub.s32 $0x0, s20;
	[sflag:s22] =	ssyncset.done $0x0  }
0xa0: {  	[sflag:s22] =	ssyncadd.s32 s3;
	_ =	sdelay $0x1  }
0xa1: {  	s23 =	simm.s32 $0x1B8B  }
0xa2: {  	_ =	swait.ge [sflag:s23], $0x1  }
0xa3: {  	[sflag:s23] =	ssyncset.done $0x0  }
0xa4: {  	s25 =	simm.s32 $0x1B8E;
	s24 =	sld [smem:$0x3FFE];
	[sflag:s23] =	ssyncadd.s32 $0xFFFFFFFF  }
0xa5: {  	s26 =	simm.s32 $execute0_lowered;
	[smem:$0x3FD2] =	sst s25  }
0xa6: {  	s4 =	sshll.u32 s26, $0x1;
	_ =	strace $0x80000049;
	[dreg:$0x1] =	wrdreg $0xFFFFFFFF  }
0xa7: {  	s28 =	simm.s32 $_size_execute0_lowered;
	s2 =	sadd.s32 s2, s4;
	[dreg:$0x0] =	wrdreg $0x0  }
0xa8: {  	s4 =	sshll.u32 s28, $0x1;
	[dreg:$0x2] =	wrdreg s2  }
0xa9: {  	[dreg:$0x3] =	wrdreg s4  }
0xaa: {  	[dreg:$0x4] =	wrdreg $0xC0  }
0xab: {  	_ =	task [dreg:s6], $0x5FFFF  }
0xac: {  	[dreg:$0x1] =	wrdreg $0xFFFFFFFF  }
0xad: {  	[dreg:$0x0] =	wrdreg $0x60  }
0xae: {  	[dreg:$0x2] =	wrdreg s24  }
0xaf: {  	[dreg:$0x3] =	wrdreg $0x90000  }
0xb0: {  	[dreg:$0x4] =	wrdreg $0x9  }
0xb1: {  	_ =	task.clear_ibuf [dreg:s6], $0x5FFFF;
	_ =	strace $0x90000049  }
0xb2: {  	s29 =	simm.s32 $0x9;
	_ =	strace $0x8000004B  }
0xb3: {  	_ =	swait.ge [sflag:s29], $0x1  }
0xb4: {  	[sflag:s29] =	ssyncadd.s32 $0xFFFFFFFF  }
0xb5: {  	_ =	strace $0x9000004B  }
0xb6: {  	_ =	sfence  }
0xb7: {  	s30 =	sld [smem:$0x0];
	_ =	sdelay $0x2  }
0xb8: {  	s31 =	sshll.u32 s1, $0xD;
	s1 =	sshrl.u32 s1, $0x2  }
0xb9: {  	s3 =	sand.u32 $0x4000, s31;
	s1 =	sadd.s32 s1, s30  }
0xba: {  	s0 =	sor.u32 s3, s0;
	s1 =	sshll.u32 s1, $0x11  }
0xbb: {  	s0 =	sor.u32 s1, s0  }
0xbc: {  	s0 =	sadd.s32 $0x8F2B, s0  }
0xbd: {  	[sflag:s0] =	ssyncadd.remote.s32 $0x1  }
0xbe: {  	_ =	sfence.sel $0xFFFF  }
0xbf: {  	[dreg:$0x0] =	wrdreg $0xFFFFFFFF;
	(pc) =	sbr.abs _section_cstart, $3  }
0xc0: {  	[dreg:$0x1] =	wrdreg $0xFFFFFFFF  }
0xc1: {  	_ =	task.clear_ibuf [dreg:s6], $0x2FFFF;
	_ =	strace $0x9FFFFFFF  }
0xc2: {  	(tm) =	ssettm $0x7FFFFFFF  }
0xc3: {  	_ =	shalt  }
tec
execute0_lowered:
.L_overlay_start_1:
0x0: {  	(tag) =	ssettag $0x1  }
0x1: {  	s1 =	srdreg.scid  }
0x2: {  	s0 =	stileid.u32;
	s5 =	rddreg [dreg:$0x0]  }
0x3: {  	s2 =	rddreg [dreg:$0x1];
	s3 =	simm.s32 $0x0;
	s14 =	simm.s32 $0x80  }
0x4: {  	s15 =	simm.s32 $0x5000;
	s16 =	simm.s32 $0x1;
	s17 =	simm.s32 $0x0  }
0x5: {  	s7 =	sand.u32 $0x1, s1;
	s1 =	rddreg [dreg:$0x2];
	s8 =	smul.u32 $0x2780, s0  }
0x6: {  	s28 =	sshll.u32 s0, $0x1;
	[smem:$0x7FF] =	sst s3;
	s10 =	smul.u32 $0x4F000, s0  }
0x7: {  	s31 =	sshll.u32 s0, $0x6;
	s4 =	sor.u32 s7, s28;
	_ =	strace $0x8000004A  }
0x8: {  	s9 =	ssub.s32 $0x2, s7;
	p0 =	seq.s32 s7, $0x1;
	s6 =	smul.u32 $0x500, s4  }
0x9: {  	s4 =	sadd.s32 $0x3EC00, s5;
	s29 =	sshrl.u32 s9, $0x1;
	s12 =	sadd.s32 s8, s5  }
0xa: {  	s30 =	sshrl.u32 s10, $0x2;
	s10 =	simm.s32 $0x8D600;
	s9 =	ssub.s32 s9, s29  }
0xb: {  	s13 =	sadd.s32 s30, s2;
	s10 =	simm.s32 @!p0 $0x65E00;
	s11 =	sadd.s32 s6, s5  }
0xc: {  	s5 =	sadd.s32 $0x17400, s12;
	s6 =	sor.u32 $0x1C02, s31;
	s9 =	smax.u32 s9, $0x1  }
0xd: {  	s10 =	sadd.s32 s10, s12;
	s12 =	simm.s32 $0x2;
	s7 =	sadd.s32 $0xD400, s11  }
0xe: {  	s8 =	sadd.s32 $0x3400, s11;
	s11 =	sshrl.u32 s13, $0x3;
	s13 =	simm.s32 $0x2800  }
.LBB2_1:
0xf: {  	[spmem:s11], [sflag:s6] =	dma.local [hbm:s5], $0x2780  }
0x10: {  	_ =	swait.ge [sflag:s12], $0x2780  }
0x11: {  	[sflag:s12] =	ssyncset.done $0x0  }
0x12: {  	[sflag:s12] =	ssyncadd.s32 $0xFFFFD880  }
0x13: {  	[bflag:$0x0] =	sbarrier.arrive $0xFFFF  }
0x14: {  	[tilespmem:s3], [sflag:$0x2] =	stream.linear.gather [hbm4b:s7+s3], $0x2780, $0x38;
	[tilespmem:$0x1CC00] =	vst v63  }
0x15: {  	_ =	swait.ge [sflag:s12], $0x2780  }
0x16: {  	[sflag:s12] =	ssyncset.done $0x0  }
0x17: {  	[sflag:s12] =	ssyncadd.s32 $0xFFFFD880  }
0x18: {  	[tilespmem:s13], [sflag:$0x2] =	stream.linear.gather [hbm4b:s8+s3], $0x2780, $0x38;
	[tilespmem:$0x1CC00] =	vst v63  }
0x19: {  	_ =	swait.ge [sflag:s12], $0x2780  }
0x1a: {  	[sflag:s12] =	ssyncset.done $0x0  }
0x1b: {  	s18 =	simm.s32 $0x0;
	[sflag:s12] =	ssyncadd.s32 $0xFFFFD880  }
0x1c: {  	[tilespmem:s15], [sflag:$0x1] =	stream.indirect.gather [hbm4b:s4+s14], $0x80, s18, s14, $0xb8;
	[tilespmem:$0x1CC00] =	vst v63  }
0x1d: {  	_ =	swait.ge [sflag:s16], $0x4000  }
0x1e: {  	[sflag:s16] =	ssyncset.done $0x0  }
0x1f: {  	s31 =	simm.s32 $0x2800;
	[sflag:s16] =	ssyncadd.s32 $0xFFFFC000  }
0x20: {  	[spmem:s2] =	stream.indirect.scatter.add.f32 [tilespmem:s15], [sflag:$0x2], $0x80, s31, s14, $0xb8;
	[tilespmem:$0x1CC00] =	vst v63  }
0x21: {  	_ =	swait.ge [sflag:s12], $0x4000  }
0x22: {  	s19 =	simm.s32 $0x400;
	s18 =	simm.s32 $0x200;
	[sflag:s12] =	ssyncset.done $0x0  }
.LBB2_2:
0x23: {  	s20 =	sshra.s32 s18, $0x2  }
0x24: {  	[sflag:s12] =	ssyncadd.s32 $0xFFFFC000;
	s18 =	smov.u32 s19;
	s21 =	sadd.s32 $0x200, s19  }
0x25: {  	[tilespmem:s15], [sflag:$0x1] =	stream.indirect.gather [hbm4b:s4+s14], $0x80, s20, s14, $0xb8;
	[tilespmem:$0x1CC00] =	vst v63  }
0x26: {  	p0 =	sne.s32 s19, $0x9C00;
	_ =	swait.ge [sflag:s16], $0x4000  }
.Ltmp0:
0x27: {  	[sflag:s16] =	ssyncset.done $0x0;
	(pc) =	sbr.rel @p0 .LBB2_2-.Ltmp0, $4  }
0x28: {  	s19 =	sadd.s32 $0x2800, s20;
	[sflag:s16] =	ssyncadd.s32 $0xFFFFC000  }
0x29: {  	[spmem:s2] =	stream.indirect.scatter.add.f32 [tilespmem:s15], [sflag:$0x2], $0x80, s19, s14, $0xb8;
	[tilespmem:$0x1CC00] =	vst v63  }
0x2a: {  	_ =	swait.ge [sflag:s12], $0x4000  }
0x2b: {  	s19 =	smov.u32 s21;
	[sflag:s12] =	ssyncset.done $0x0  }
0x2c: {  	s18 =	sshra.s32 s18, $0x2;
	[sflag:s12] =	ssyncadd.s32 $0xFFFFC000  }
0x2d: {  	[tilespmem:s15], [sflag:$0x1] =	stream.indirect.gather [hbm4b:s4+s14], $0x80, s18, s14, $0xb8;
	[tilespmem:$0x1CC00] =	vst v63  }
0x2e: {  	_ =	swait.ge [sflag:s16], $0x4000  }
0x2f: {  	[sflag:s16] =	ssyncset.done $0x0  }
0x30: {  	s18 =	sadd.s32 $0x2800, s18;
	[sflag:s16] =	ssyncadd.s32 $0xFFFFC000  }
0x31: {  	[spmem:s2] =	stream.indirect.scatter.add.f32 [tilespmem:s15], [sflag:$0x2], $0x80, s18, s14, $0xb8;
	[tilespmem:$0x1CC00] =	vst v63  }
0x32: {  	_ =	swait.ge [sflag:s12], $0x4000  }
0x33: {  	s17 =	sadd.s32 $0x1, s17;
	[sflag:s12] =	ssyncset.done $0x0  }
0x34: {  	p0 =	sne.s32 s17, s9;
	[sflag:s12] =	ssyncadd.s32 $0xFFFFC000  }
.Ltmp1:
0x35: {  	[bflag:$0x0] =	sbarrier.arrive $0xFFFF;
	(pc) =	sbr.rel @p0 .LBB2_1-.Ltmp1, $4  }
0x36: {  	[hbm:s10], [sflag:s6] =	dma.local [spmem:s11], $0x2780  }
0x37: {  	_ =	swait.ge [sflag:s12], $0x2780  }
0x38: {  	[sflag:s12] =	ssyncset.done $0x0  }
0x39: {  	[sflag:s12] =	ssyncadd.s32 $0xFFFFD880  }
0x3a: {  	_ =	sfence.sel $0x180000  }
0x3b: {  	[bflag:$0x0] =	sbarrier.arrive $0xFFFF  }
0x3c: {  	p0 =	sne.s32 s0, $0x0;
	_ =	strace $0x9000004A  }
0x3d: {  	s0 =	sadd.s32 @!p0 $0x100000, s1;
	[bflag:$0x2] =	sbarrier.arrive $0xFFFF  }
0x3e: {  	[sflag:s0] =	ssyncadd.tile.s32 @!p0 $0x1;
	_ =	shalt  }
.Lfunc_end2:
_tile_overlayer_lowered:
.L_overlay_start_2:
0x3f: {  	(tag) =	ssettag $0x2  }
0x40: {  	s0 =	rddreg [dreg:$0x0];
	s2 =	stileid.u32  }
0x41: {  	s1 =	rddreg [dreg:$0x1];
	p0 =	sne.s32 s2, $0x0  }
0x42: {  	s3 =	rddreg [dreg:$0x2];
	[bflag:$0x3] =	sbarrier.arrive $0xFFFF;
	s2 =	simm.s32 @!p0 $0x1C02  }
0x43: {  	[timem:s3], [sflag:s2] =	dma.local @!p0 [hbm:s0], s1  }
0x44: {  	s0 =	simm.s32 @!p0 $0x2  }
0x45: {  	_ =	swait.ge @!p0 [sflag:s0], s1  }
0x46: {  	s1 =	ssub.s32 @!p0 $0x0, s1;
	[sflag:s0] =	ssyncset.done @!p0 $0x0  }
0x47: {  	[sflag:s0] =	ssyncadd.s32 @!p0 s1  }
0x48: {  	[bflag:$0x3] =	sbarrier.arrive $0xFFFF  }
0x49: {  	_ =	shalt  }

// kernel: kernel.7.cloned.1.call-start
scs
__scs_entry_jumppad:
0x0: {  	(pc) =	sbr.rel $0x88, $3  }
0x1: {  	(tag) =	ssettag $0x0;
	lr =	simm.s32 $0x1  }
0x2: {  	[smem:$0x3F95] =	sst lr;
	_ =	strace $0xD0000000  }
0x3: {  	_ = 	snop  }
0x4: {  	_ = 	snop  }
0x5: {  	_ = 	snop  }
0x6: {  	_ = 	snop  }
0x7: {  	_ = 	snop  }
__scs_overlays_trampoline_lowered:
0x8: {  	[smem:$0x3FA4] =	sst s0  }
0x9: {  	[smem:$0x3FA5] =	sst s1  }
0xa: {  	[smem:$0x3FA6] =	sst s2  }
0xb: {  	[smem:$0x3FA7] =	sst s3  }
0xc: {  	[smem:$0x3FA8] =	sst s4  }
0xd: {  	[smem:$0x3FA9] =	sst s5  }
0xe: {  	[smem:$0x3FAA] =	sst s6  }
0xf: {  	[smem:$0x3FAB] =	sst s7  }
0x10: {  	[smem:$0x3FAC] =	sst s8  }
0x11: {  	[smem:$0x3FAD] =	sst s9;
	s0 =	simm.s32 @!p0 $0x0  }
0x12: {  	s1 =	sld [smem:$0x3F93];
	s0 =	simm.s32 @p0 $0x1  }
0x13: {  	[smem:$0x3FAE] =	sst s0;
	s0 =	simm.s32 @!p1 $0x0  }
0x14: {  	s2 =	sld [smem:$0x3F92];
	s0 =	simm.s32 @p1 $0x1  }
0x15: {  	[smem:$0x3FAF] =	sst s0;
	s0 =	simm.s32 @!p2 $0x0  }
0x16: {  	s3 =	sld [smem:$0x3FDB];
	s0 =	simm.s32 @p2 $0x1  }
0x17: {  	s4 =	simm.s32 $0x1BF5;
	[smem:$0x3FB1] =	sst s0  }
0x18: {  	s0 =	sld [smem:$0x3F94];
	_ =	swait.ge [sflag:s4], $0x0  }
0x19: {  	s7 =	sld [smem:$0x3F95]  }
0x1a: {  	s8 =	sadd.s32 $0xFFFFE003, lr  }
0x1b: {  	s9 =	sadd.s32 $0xFFFFFEF7, lr;
	s5 =	simm.s32 $0xFFFFFFFF;
	p2 =	slt.u32 s8, $0xFFFFF086  }
0x1c: {  	p1 =	slt.u32 s9, $0xF7A;
	s5 =	simm.s32 @!p2 $0x0  }
0x1d: {  	s5 =	simm.s32 @p1 $0x1;
	p0 =	seq.s32 s7, s2  }
0x1e: {  	s7 =	smul.u32 @!p0 $0xF7A, s2;
	p2 =	seq.s32 @!p0 s5, $0x0  }
0x1f: {  	s9 =	smul.u32 $0xF7A, s1;
	s8 =	simm.s32 @!p0 $0x1BF5;
	p2 =	por !p2, p0  }
0x20: {  	[sflag:s8] =	ssyncset.s32 @!p0 $0xFFFFF086;
	s6 =	sadd.s32 @!p0 s3, s7;
	s7 =	simm.s32 @!p0 $0x108  }
0x21: {  	s3 =	sadd.s32 s3, s9;
	s6 =	sadd.s32 @!p0 $0x88, s6;
	s7 =	simm.s32 @p2 $0x1082  }
0x22: {  	[simem:s7], [sflag:s8] =	dma.local @!p0 [hbm:s6], $0xF7A  }
0x23: {  	s9 =	sor.u32 $0xD0000000, s2;
	s6 =	simm.s32 $0x108;
	_ =	swait.ge @!p0 [sflag:s8], $0x0  }
0x24: {  	s3 =	sadd.s32 $0x88, s3;
	s6 =	simm.s32 @!p1 $0x1082;
	[sflag:s4] =	ssyncset.s32 $0xFFFFF086  }
0x25: {  	[simem:s6], [sflag:s4] =	dma.local [hbm:s3], $0xF7A  }
0x26: {  	[smem:$0x3F95] =	sst s1;
	(tag) =	ssettag s2;
	_ =	strace s9  }
0x27: {  	s1 =	sld [smem:$0x3FA5]  }
0x28: {  	s2 =	sld [smem:$0x3FA6]  }
0x29: {  	s4 =	sld [smem:$0x3FA8]  }
0x2a: {  	p0 =	seq.s32 s5, $0x0;
	s5 =	sld [smem:$0x3FA9]  }
0x2b: {  	s6 =	sld [smem:$0x3FAA]  }
0x2c: {  	s7 =	sld [smem:$0x3FAB]  }
0x2d: {  	s3 =	simm.s32 $0x108;
	s8 =	sld [smem:$0x3FAC]  }
0x2e: {  	s3 =	simm.s32 @!p0 $0x1082;
	s9 =	sld [smem:$0x3FAD]  }
0x2f: {  	lr =	sadd.s32 s0, s3;
	s0 =	sld [smem:$0x3FA4]  }
0x30: {  	s3 =	sld [smem:$0x3FA7]  }
0x31: {  	[smem:$0x3FB0] =	sst s10  }
0x32: {  	s10 =	sld [smem:$0x3FAE];
	_ =	sdelay $0x3  }
0x33: {  	p0 =	seq.s32 s10, $0x1;
	s10 =	sld [smem:$0x3FB0];
	_ =	sdelay $0x3  }
0x34: {  	[smem:$0x3FB0] =	sst s10  }
0x35: {  	s10 =	sld [smem:$0x3FAF];
	_ =	sdelay $0x3  }
0x36: {  	p1 =	seq.s32 s10, $0x1;
	s10 =	sld [smem:$0x3FB0];
	_ =	sdelay $0x3  }
0x37: {  	[smem:$0x3FB0] =	sst s10  }
0x38: {  	s10 =	sld [smem:$0x3FB1]  }
0x39: {  	_ = 	snop;
	(pc) =	sbr.ind lr, $3  }
0x3a: {  	_ = 	snop  }
0x3b: {  	_ = 	snop  }
0x3c: {  	p2 =	seq.s32 s10, $0x1;
	s10 =	sld [smem:$0x3FB0]  }
0x3d: {  	_ =	shalt  }
0x3e: {  	_ =	shalt  }
0x3f: {  	_ =	shalt  }
0x40: {  	_ =	shalt  }
0x41: {  	_ =	shalt  }
0x42: {  	_ =	shalt  }
0x43: {  	_ =	shalt  }
0x44: {  	_ =	shalt  }
0x45: {  	_ =	shalt  }
0x46: {  	_ =	shalt  }
0x47: {  	_ =	shalt  }
0x48: {  	_ =	shalt  }
0x49: {  	_ =	shalt  }
0x4a: {  	_ =	shalt  }
0x4b: {  	_ =	shalt  }
0x4c: {  	_ =	shalt  }
0x4d: {  	_ =	shalt  }
0x4e: {  	_ =	shalt  }
0x4f: {  	_ =	shalt  }
0x50: {  	_ =	shalt  }
0x51: {  	_ =	shalt  }
0x52: {  	_ =	shalt  }
0x53: {  	_ =	shalt  }
0x54: {  	_ =	shalt  }
0x55: {  	_ =	shalt  }
0x56: {  	_ =	shalt  }
0x57: {  	_ =	shalt  }
0x58: {  	_ =	shalt  }
0x59: {  	_ =	shalt  }
0x5a: {  	_ =	shalt  }
0x5b: {  	_ =	shalt  }
0x5c: {  	_ =	shalt  }
0x5d: {  	_ =	shalt  }
0x5e: {  	_ =	shalt  }
0x5f: {  	_ =	shalt  }
0x60: {  	_ =	shalt  }
0x61: {  	_ =	shalt  }
0x62: {  	_ =	shalt  }
0x63: {  	_ =	shalt  }
0x64: {  	_ =	shalt  }
0x65: {  	_ =	shalt  }
0x66: {  	_ =	shalt  }
0x67: {  	_ =	shalt  }
0x68: {  	_ =	shalt  }
0x69: {  	_ =	shalt  }
0x6a: {  	_ =	shalt  }
0x6b: {  	_ =	shalt  }
0x6c: {  	_ =	shalt  }
0x6d: {  	_ =	shalt  }
0x6e: {  	_ =	shalt  }
0x6f: {  	_ =	shalt  }
0x70: {  	_ =	shalt  }
0x71: {  	_ =	shalt  }
0x72: {  	_ =	shalt  }
0x73: {  	_ =	shalt  }
0x74: {  	_ =	shalt  }
0x75: {  	_ =	shalt  }
0x76: {  	_ =	shalt  }
0x77: {  	_ =	shalt  }
0x78: {  	_ =	shalt  }
0x79: {  	_ =	shalt  }
0x7a: {  	_ =	shalt  }
0x7b: {  	_ =	shalt  }
0x7c: {  	_ =	shalt  }
0x7d: {  	_ =	shalt  }
0x7e: {  	_ =	shalt  }
0x7f: {  	_ =	shalt  }
0x80: {  	_ =	shalt  }
0x81: {  	_ =	shalt  }
0x82: {  	_ =	shalt  }
0x83: {  	_ =	shalt  }
0x84: {  	_ =	shalt  }
0x85: {  	_ =	shalt  }
0x86: {  	_ =	shalt  }
0x87: {  	_ =	shalt  }
.Lfunc_end0:
.L_simem_size_0:
called_computation_lowered:
.L_overlay_start_0:
0x88: {  	s2 =	sld [smem:$0x3FD9]  }
0x89: {  	s3 =	sld [smem:$0x3FFE];
	_ =	sdelay $0x1  }
0x8a: {  	s1 =	srdreg.scid  }
0x8b: {  	s0 =	sand.u32 $0x1, s1  }
0x8c: {  	s14 =	sshll.u32 s0, $0xA;
	s2 =	sadd.s32 s3, s2  }
0x8d: {  	s2 =	sadd.s32 s2, s14  }
0x8e: {  	[smem:$0x3FBC] =	sst s2  }
0x8f: {  	_ = 	snop  }
0x90: {  	s2 =	sld [smem:$0x3FD0];
	_ =	sdelay $0x2  }
0x91: {  	s15 =	simm.s32 $0xA;
	s4 =	simm.s32 $0x10  }
0x92: {  	[smem:s4], [sflag:s15] =	dma.local [hbm:s2], $0x1  }
0x93: {  	_ =	swait.eq [sflag:s15], $0x1  }
0x94: {  	[sflag:s15] =	ssyncset.done $0x0  }
0x95: {  	[sflag:s15] =	ssyncadd.s32 $0xFFFFFFFF  }
0x96: {  	s16 =	sld [smem:$0x10];
	(tm) =	ssettm $0x1  }
0x97: {  	s17 =	sld [smem:$0x3FFB];
	_ =	sdelay $0x3  }
0x98: {  	_ =	strace s17  }
0x99: {  	s3 =	sld [smem:$0x3FFC];
	_ =	sdelay $0x3  }
0x9a: {  	_ =	strace s3  }
0x9b: {  	s3 =	sld [smem:$0x3FFD];
	_ =	sdelay $0x3  }
0x9c: {  	_ =	strace s3  }
0x9d: {  	_ =	strace $0x8FFFFFFF  }
0x9e: {  	s18 =	sld [smem:$0x3FDB];
	_ =	sdelay $0x1  }
0x9f: {  	s19 =	simm.s32 $_scs_section_size  }
0xa0: {  	s5 =	simm.s32 $_size__tile_overlayer_lowered;
	s6 =	simm.s32 $_tile_overlayer_lowered  }
0xa1: {  	s22 =	simm.s32 $0x1BFF;
	s21 =	sshll.u32 s6, $0x1;
	s3 =	sadd.s32 s19, s18  }
0xa2: {  	s7 =	simm.s32 $0x0;
	s20 =	sshll.u32 s5, $0x1;
	s5 =	sadd.s32 s21, s3  }
0xa3: {  	[timem:s7], [sflag:s22] =	dma.local [hbm:s5], s20  }
0xa4: {  	_ =	swait.ge [sflag:s22], s20  }
0xa5: {  	s4 =	ssub.s32 $0x0, s20;
	[sflag:s22] =	ssyncset.done $0x0  }
0xa6: {  	[sflag:s22] =	ssyncadd.s32 s4;
	_ =	sdelay $0x1  }
0xa7: {  	s23 =	simm.s32 $0x1B8B  }
0xa8: {  	_ =	swait.ge [sflag:s23], $0x1  }
0xa9: {  	[sflag:s23] =	ssyncset.done $0x0  }
0xaa: {  	s25 =	simm.s32 $0x1B8E;
	s24 =	sld [smem:$0x3FFE];
	[sflag:s23] =	ssyncadd.s32 $0xFFFFFFFF  }
0xab: {  	s26 =	simm.s32 $execute0_lowered;
	[smem:$0x3FD2] =	sst s25  }
0xac: {  	s5 =	sshll.u32 s26, $0x1;
	_ =	strace $0x80000046;
	[dreg:$0x1] =	wrdreg $0xFFFFFFFF  }
0xad: {  	s28 =	simm.s32 $_size_execute0_lowered;
	s3 =	sadd.s32 s3, s5;
	[dreg:$0x0] =	wrdreg $0x0  }
0xae: {  	s5 =	sshll.u32 s28, $0x1;
	[dreg:$0x2] =	wrdreg s3  }
0xaf: {  	[dreg:$0x3] =	wrdreg s5  }
0xb0: {  	[dreg:$0x4] =	wrdreg $0xC0  }
0xb1: {  	_ =	task [dreg:s7], $0x5FFFF  }
0xb2: {  	[dreg:$0x1] =	wrdreg $0xFFFFFFFF  }
0xb3: {  	[dreg:$0x0] =	wrdreg $0x60  }
0xb4: {  	[dreg:$0x2] =	wrdreg s16  }
0xb5: {  	[dreg:$0x3] =	wrdreg s24  }
0xb6: {  	[dreg:$0x4] =	wrdreg $0x90000  }
0xb7: {  	[dreg:$0x5] =	wrdreg $0x9  }
0xb8: {  	_ =	task.clear_ibuf [dreg:s7], $0x6FFFF;
	_ =	strace $0x90000046  }
0xb9: {  	s29 =	simm.s32 $0x9;
	_ =	strace $0x80000048  }
0xba: {  	_ =	swait.ge [sflag:s29], $0x1  }
0xbb: {  	[sflag:s29] =	ssyncadd.s32 $0xFFFFFFFF  }
0xbc: {  	_ =	strace $0x90000048  }
0xbd: {  	_ =	sfence  }
0xbe: {  	s30 =	sld [smem:$0x0];
	_ =	sdelay $0x2  }
0xbf: {  	s31 =	sshll.u32 s1, $0xD;
	s1 =	sshrl.u32 s1, $0x2  }
0xc0: {  	s3 =	sand.u32 $0x4000, s31;
	s1 =	sadd.s32 s1, s30  }
0xc1: {  	s0 =	sor.u32 s3, s0;
	s1 =	sshll.u32 s1, $0x11  }
0xc2: {  	s0 =	sor.u32 s1, s0  }
0xc3: {  	s0 =	sadd.s32 $0x8F2B, s0  }
0xc4: {  	[sflag:s0] =	ssyncadd.remote.s32 $0x1  }
0xc5: {  	_ =	sfence.sel $0xFFFF  }
0xc6: {  	[dreg:$0x0] =	wrdreg $0xFFFFFFFF;
	(pc) =	sbr.abs _section_cstart, $3  }
0xc7: {  	[dreg:$0x1] =	wrdreg $0xFFFFFFFF  }
0xc8: {  	_ =	task.clear_ibuf [dreg:s7], $0x2FFFF;
	_ =	strace $0x9FFFFFFF  }
0xc9: {  	(tm) =	ssettm $0x7FFFFFFF  }
tec
execute0_lowered:
.L_overlay_start_1:
0x0: {  	(tag) =	ssettag $0x1  }
0x1: {  	s1 =	rddreg [dreg:$0x0]  }
0x2: {  	s2 =	srdreg.scid;
	s5 =	rddreg [dreg:$0x1]  }
0x3: {  	s0 =	stileid.u32;
	s3 =	rddreg [dreg:$0x2];
	s4 =	simm.s32 $0x0  }
0x4: {  	s14 =	simm.s32 $0x80;
	s15 =	simm.s32 $0x5000;
	s16 =	simm.s32 $0x1  }
0x5: {  	s17 =	simm.s32 $0x0;
	s7 =	sand.u32 $0x1, s2;
	s8 =	smul.u32 $0x2780, s0  }
0x6: {  	s28 =	sshll.u32 s0, $0x1;
	[smem:$0x7FF] =	sst s4;
	s10 =	smul.u32 $0x4F000, s0  }
0x7: {  	s31 =	sshll.u32 s0, $0x6;
	s2 =	sor.u32 s7, s28;
	s9 =	ssub.s32 $0x2, s7  }
0x8: {  	p0 =	seq.s32 s7, $0x1;
	s6 =	smul.u32 $0x500, s2;
	s2 =	rddreg [dreg:$0x3]  }
0x9: {  	_ =	strace $0x80000047;
	s29 =	sshrl.u32 s9, $0x1;
	s12 =	sadd.s32 s8, s5  }
0xa: {  	s30 =	sshrl.u32 s10, $0x2;
	s10 =	simm.s32 $0x66400;
	s9 =	ssub.s32 s9, s29  }
0xb: {  	s13 =	sadd.s32 s30, s3;
	s10 =	simm.s32 @!p0 $0x3EC00;
	s11 =	sadd.s32 s6, s5  }
0xc: {  	s5 =	sadd.s32 $0x17400, s12;
	s6 =	sor.u32 $0x1C02, s31;
	s9 =	smax.u32 s9, $0x1  }
0xd: {  	s10 =	sadd.s32 s10, s12;
	s12 =	simm.s32 $0x2;
	s7 =	sadd.s32 $0xD400, s11  }
0xe: {  	s8 =	sadd.s32 $0x3400, s11;
	s11 =	sshrl.u32 s13, $0x3;
	s13 =	simm.s32 $0x2800  }
.LBB2_1:
0xf: {  	[spmem:s11], [sflag:s6] =	dma.local [hbm:s5], $0x2780  }
0x10: {  	_ =	swait.ge [sflag:s12], $0x2780  }
0x11: {  	[sflag:s12] =	ssyncset.done $0x0  }
0x12: {  	[sflag:s12] =	ssyncadd.s32 $0xFFFFD880  }
0x13: {  	[bflag:$0x0] =	sbarrier.arrive $0xFFFF  }
0x14: {  	[tilespmem:s4], [sflag:$0x2] =	stream.linear.gather [hbm4b:s7+s4], $0x2780, $0x38;
	[tilespmem:$0x1CC00] =	vst v63  }
0x15: {  	_ =	swait.ge [sflag:s12], $0x2780  }
0x16: {  	[sflag:s12] =	ssyncset.done $0x0  }
0x17: {  	[sflag:s12] =	ssyncadd.s32 $0xFFFFD880  }
0x18: {  	[tilespmem:s13], [sflag:$0x2] =	stream.linear.gather [hbm4b:s8+s4], $0x2780, $0x38;
	[tilespmem:$0x1CC00] =	vst v63  }
0x19: {  	_ =	swait.ge [sflag:s12], $0x2780  }
0x1a: {  	[sflag:s12] =	ssyncset.done $0x0  }
0x1b: {  	s18 =	simm.s32 $0x0;
	[sflag:s12] =	ssyncadd.s32 $0xFFFFD880  }
0x1c: {  	[tilespmem:s15], [sflag:$0x1] =	stream.indirect.gather [hbm4b:s1+s14], $0x80, s18, s14, $0xb8;
	[tilespmem:$0x1CC00] =	vst v63  }
0x1d: {  	_ =	swait.ge [sflag:s16], $0x4000  }
0x1e: {  	[sflag:s16] =	ssyncset.done $0x0  }
0x1f: {  	s31 =	simm.s32 $0x2800;
	[sflag:s16] =	ssyncadd.s32 $0xFFFFC000  }
0x20: {  	[spmem:s3] =	stream.indirect.scatter.add.f32 [tilespmem:s15], [sflag:$0x2], $0x80, s31, s14, $0xb8;
	[tilespmem:$0x1CC00] =	vst v63  }
0x21: {  	_ =	swait.ge [sflag:s12], $0x4000  }
0x22: {  	s19 =	simm.s32 $0x400;
	s18 =	simm.s32 $0x200;
	[sflag:s12] =	ssyncset.done $0x0  }
.LBB2_2:
0x23: {  	s20 =	sshra.s32 s18, $0x2  }
0x24: {  	[sflag:s12] =	ssyncadd.s32 $0xFFFFC000;
	s18 =	smov.u32 s19;
	s21 =	sadd.s32 $0x200, s19  }
0x25: {  	[tilespmem:s15], [sflag:$0x1] =	stream.indirect.gather [hbm4b:s1+s14], $0x80, s20, s14, $0xb8;
	[tilespmem:$0x1CC00] =	vst v63  }
0x26: {  	p0 =	sne.s32 s19, $0x9C00;
	_ =	swait.ge [sflag:s16], $0x4000  }
.Ltmp0:
0x27: {  	[sflag:s16] =	ssyncset.done $0x0;
	(pc) =	sbr.rel @p0 .LBB2_2-.Ltmp0, $4  }
0x28: {  	s19 =	sadd.s32 $0x2800, s20;
	[sflag:s16] =	ssyncadd.s32 $0xFFFFC000  }
0x29: {  	[spmem:s3] =	stream.indirect.scatter.add.f32 [tilespmem:s15], [sflag:$0x2], $0x80, s19, s14, $0xb8;
	[tilespmem:$0x1CC00] =	vst v63  }
0x2a: {  	_ =	swait.ge [sflag:s12], $0x4000  }
0x2b: {  	s19 =	smov.u32 s21;
	[sflag:s12] =	ssyncset.done $0x0  }
0x2c: {  	s18 =	sshra.s32 s18, $0x2;
	[sflag:s12] =	ssyncadd.s32 $0xFFFFC000  }
0x2d: {  	[tilespmem:s15], [sflag:$0x1] =	stream.indirect.gather [hbm4b:s1+s14], $0x80, s18, s14, $0xb8;
	[tilespmem:$0x1CC00] =	vst v63  }
0x2e: {  	_ =	swait.ge [sflag:s16], $0x4000  }
0x2f: {  	[sflag:s16] =	ssyncset.done $0x0  }
0x30: {  	s18 =	sadd.s32 $0x2800, s18;
	[sflag:s16] =	ssyncadd.s32 $0xFFFFC000  }
0x31: {  	[spmem:s3] =	stream.indirect.scatter.add.f32 [tilespmem:s15], [sflag:$0x2], $0x80, s18, s14, $0xb8;
	[tilespmem:$0x1CC00] =	vst v63  }
0x32: {  	_ =	swait.ge [sflag:s12], $0x4000  }
0x33: {  	s17 =	sadd.s32 $0x1, s17;
	[sflag:s12] =	ssyncset.done $0x0  }
0x34: {  	p0 =	sne.s32 s17, s9;
	[sflag:s12] =	ssyncadd.s32 $0xFFFFC000  }
.Ltmp1:
0x35: {  	[bflag:$0x0] =	sbarrier.arrive $0xFFFF;
	(pc) =	sbr.rel @p0 .LBB2_1-.Ltmp1, $4  }
0x36: {  	[hbm:s10], [sflag:s6] =	dma.local [spmem:s11], $0x2780  }
0x37: {  	_ =	swait.ge [sflag:s12], $0x2780  }
0x38: {  	[sflag:s12] =	ssyncset.done $0x0  }
0x39: {  	[sflag:s12] =	ssyncadd.s32 $0xFFFFD880  }
0x3a: {  	_ =	sfence.sel $0x180000  }
0x3b: {  	[bflag:$0x0] =	sbarrier.arrive $0xFFFF  }
0x3c: {  	p0 =	sne.s32 s0, $0x0;
	_ =	strace $0x90000047  }
0x3d: {  	s0 =	sadd.s32 @!p0 $0x100000, s2;
	[bflag:$0x2] =	sbarrier.arrive $0xFFFF  }
0x3e: {  	[sflag:s0] =	ssyncadd.tile.s32 @!p0 $0x1;
	_ =	shalt  }
.Lfunc_end2:
_tile_overlayer_lowered:
.L_overlay_start_2:
0x3f: {  	(tag) =	ssettag $0x2  }
0x40: {  	s0 =	rddreg [dreg:$0x0];
	s2 =	stileid.u32  }
0x41: {  	s1 =	rddreg [dreg:$0x1];
	p0 =	sne.s32 s2, $0x0  }
0x42: {  	s3 =	rddreg [dreg:$0x2];
	[bflag:$0x3] =	sbarrier.arrive $0xFFFF;
	s2 =	simm.s32 @!p0 $0x1C02  }
0x43: {  	[timem:s3], [sflag:s2] =	dma.local @!p0 [hbm:s0], s1  }
0x44: {  	s0 =	simm.s32 @!p0 $0x2  }
0x45: {  	_ =	swait.ge @!p0 [sflag:s0], s1  }
0x46: {  	s1 =	ssub.s32 @!p0 $0x0, s1;
	[sflag:s0] =	ssyncset.done @!p0 $0x0  }
0x47: {  	[sflag:s0] =	ssyncadd.s32 @!p0 s1  }
0x48: {  	[bflag:$0x3] =	sbarrier.arrive $0xFFFF  }
0x49: {  	_ =	shalt  }

</sc_bundles>
